<compile_context>
chip_gen: v7x
topology: tpu7x:2x2x1
jax: 0.10.2.dev20260603
libtpu: 0.0.44.dev20260713+nightly
codegen_flags: <defaults>
</compile_context>

<pallas_src>
import functools

import jax
import jax.numpy as jnp
from jax import lax
from jax.experimental import pallas as pl
from jax.experimental.pallas import tpu as pltpu
from jax.experimental.pallas import tpu_sc as plsc

_B = 16
_A = 8525
_NC = 80
_TA = 8576
_OFF = (0, 6400, 8000, 8400, 8500, 8525)
_EPS = 1e-7
_HI = jax.lax.Precision.HIGHEST

_N = _B * _A
_NA = 4264
_NL = _N - 31 * _NA
_NS = 4272
_ITERS = _NS // 16


def _perm16(vals):
    def g(v, perm):
        return lax.gather(
            v, perm[:, None],
            dimension_numbers=lax.GatherDimensionNumbers(
                offset_dims=(), collapsed_slice_dims=(0,),
                start_index_map=(0,)),
            slice_sizes=(1,),
            mode=lax.GatherScatterMode.PROMISE_IN_BOUNDS)
    return g(*vals)


@functools.partial(
    pl.kernel,
    out_type=jax.ShapeDtypeStruct((_N,), jnp.float32),
    mesh=plsc.VectorSubcoreMesh(core_axis_name="c", subcore_axis_name="s"),
    scratch_types=[
        pltpu.VMEM((_NS * 4,), jnp.float32),
        pltpu.VMEM((_NS * 4,), jnp.float32),
        pltpu.VMEM((_NS,), jnp.float32),
    ],
)
def _giou_sc(lp_hbm, lt_hbm, out_hbm, lp_v, lt_v, o_v):
    wid = lax.axis_index("s") * 2 + lax.axis_index("c")
    base = wid * _NA

    @pl.when(wid < 31)
    def _():
        pltpu.sync_copy(lp_hbm.at[pl.ds(base * 4, _NA * 4)], lp_v.at[pl.ds(0, _NA * 4)])
        pltpu.sync_copy(lt_hbm.at[pl.ds(base * 4, _NA * 4)], lt_v.at[pl.ds(0, _NA * 4)])

    @pl.when(wid == 31)
    def _():
        pltpu.sync_copy(lp_hbm.at[pl.ds(base * 4, _NL * 4)], lp_v.at[pl.ds(0, _NL * 4)])
        pltpu.sync_copy(lt_hbm.at[pl.ds(base * 4, _NL * 4)], lt_v.at[pl.ds(0, _NL * 4)])

    lanes = lax.iota(jnp.int32, 16)
    in0 = lanes < 4
    in1 = lanes < 8
    in2 = lanes < 12
    perms = [(lanes % 4) * 4 + c for c in range(4)]

    def deint(ref, j, c):
        vs = [ref[pl.ds(j * 64 + q * 16, 16)] for q in range(4)]
        ps = [_perm16((v, perms[c])) for v in vs]
        return jnp.where(in0, ps[0],
                         jnp.where(in1, ps[1],
                                   jnp.where(in2, ps[2], ps[3])))

    def body(j, carry):
        tx1 = deint(lt_v, j, 0)
        ty1 = deint(lt_v, j, 1)
        tx2 = deint(lt_v, j, 2)
        ty2 = deint(lt_v, j, 3)
        px1 = deint(lp_v, j, 0)
        py1 = deint(lp_v, j, 1)
        px2 = deint(lp_v, j, 2)
        py2 = deint(lp_v, j, 3)
        t1x = jnp.minimum(tx1, tx2)
        t2x = jnp.maximum(tx1, tx2)
        t1y = jnp.minimum(ty1, ty2)
        t2y = jnp.maximum(ty1, ty2)
        p1x = jnp.minimum(px1, px2)
        p2x = jnp.maximum(px1, px2)
        p1y = jnp.minimum(py1, py2)
        p2y = jnp.maximum(py1, py2)
        iw = jnp.maximum(jnp.minimum(t2x, p2x) - jnp.maximum(t1x, p1x), 0.0)
        ih = jnp.maximum(jnp.minimum(t2y, p2y) - jnp.maximum(t1y, p1y), 0.0)
        inter = iw * ih
        area_t = (t2x - t1x) * (t2y - t1y)
        area_p = (p2x - p1x) * (p2y - p1y)
        union = area_t + area_p - inter
        iou = inter / (union + _EPS)
        ew = jnp.maximum(t2x, p2x) - jnp.minimum(t1x, p1x)
        eh = jnp.maximum(t2y, p2y) - jnp.minimum(t1y, p1y)
        enc = ew * eh
        giou = iou - (enc - union) / (enc + _EPS)
        o_v[pl.ds(j * 16, 16)] = 1.0 - giou
        return carry

    lax.fori_loop(0, _ITERS, body, 0)

    @pl.when(wid < 31)
    def _():
        pltpu.sync_copy(o_v.at[pl.ds(0, _NA)], out_hbm.at[pl.ds(base, _NA)])

    @pl.when(wid == 31)
    def _():
        pltpu.sync_copy(o_v.at[pl.ds(0, _NL)], out_hbm.at[pl.ds(base, _NL)])


def _lane_masks():
    ga = jax.lax.broadcasted_iota(jnp.int32, (1, _TA), 1)
    validT = ga < _A
    lmasks = [
        jnp.where((ga >= _OFF[l]) & (ga < _OFF[l + 1]), 1.0, 0.0)
        for l in range(5)
    ]
    return validT, lmasks


def _focal_kernel(cls_pred_ref, cls_tar_ref, closs_ref, msk_ref):
    x = cls_pred_ref[0]
    y = cls_tar_ref[0][:, :_NC]
    e = jnp.exp(-x)
    ce = jnp.log(1.0 + e) + x - y * x
    p = 1.0 / (1.0 + e)
    om = p + y - 2.0 * y * p
    a_t = 0.75 - 0.5 * y
    f = a_t * (om * om) * ce
    ones = jnp.ones((1, _NC), jnp.float32)
    closs_ref[0] = jax.lax.dot_general(
        ones, f, (((1,), (1,)), ((), ())),
        preferred_element_type=jnp.float32, precision=_HI)
    sel = (jax.lax.broadcasted_iota(jnp.int32, (1, _NC + 2), 1)
           == _NC + 1).astype(jnp.float32)
    msk_ref[0] = jax.lax.dot_general(
        sel, cls_tar_ref[0], (((1,), (1,)), ((), ())),
        preferred_element_type=jnp.float32, precision=_HI)


def _combine_kernel(closs_ref, gl_ref, ind_ref, msk_ref, cnt_ref, out_ref):
    validT, lmasks = _lane_masks()
    total = jnp.where(validT, closs_ref[0] + gl_ref[0], 0.0)
    oid_iota = jax.lax.broadcasted_iota(jnp.int32, (8, 1), 0)
    oidoh = (ind_ref[0] == oid_iota).astype(jnp.float32)
    z = oidoh * total
    sums = jnp.concatenate(
        [jnp.sum(z * lm, axis=1, keepdims=True) for lm in lmasks], axis=1)
    cnts = jnp.concatenate(
        [jnp.sum(oidoh * lm, axis=1, keepdims=True) for lm in lmasks], axis=1)

    mean = sums / jnp.maximum(1.0, cnts)
    mn = jnp.min(mean, axis=1, keepdims=True)
    mx = jnp.max(mean, axis=1, keepdims=True)
    t = 1.0 - (mean - mn) / (mx - mn)
    m1 = jnp.min(t, axis=1, keepdims=True)
    eqm = t == m1
    nmin = jnp.sum(eqm.astype(jnp.float32), axis=1, keepdims=True)
    m2 = jnp.min(jnp.where(eqm, jnp.inf, t), axis=1, keepdims=True)
    mw = jnp.where(nmin >= 2.0, m1, m2)
    tk = jnp.where(t > mw, t, 0.0)
    cnt = cnt_ref[0, 0, 0]
    rowmask = jax.lax.broadcasted_iota(jnp.int32, (8, 5), 0) < cnt
    tk = jnp.where(rowmask, tk, 0.0)

    lvloh = jnp.concatenate(lmasks, axis=0)
    w = jax.lax.dot_general(tk, lvloh, (((1,), (0,)), ((), ())),
                            preferred_element_type=jnp.float32,
                            precision=_HI)
    gathered = jnp.sum(oidoh * w, axis=0, keepdims=True)
    out_ref[0] = jnp.where(msk_ref[0] > 0.0, gathered, 1.0)


@functools.partial(jax.jit, static_argnums=())
def kernel(cls_pred, loc_pred, cls_tar, loc_tar, ind_tar, bboxes_cnt):
    indT = ind_tar.astype(jnp.int32).reshape(_B, 1, _A)
    cnt32 = bboxes_cnt.astype(jnp.int32).reshape(_B, 1, 1)

    gl = _giou_sc(loc_pred.reshape(_N * 4),
                  loc_tar.reshape(_N * 4)).reshape(_B, 1, _A)

    closs, mskv = pl.pallas_call(
        _focal_kernel,
        grid=(_B,),
        in_specs=[
            pl.BlockSpec((1, _TA, _NC), lambda b: (b, 0, 0)),
            pl.BlockSpec((1, _TA, _NC + 2), lambda b: (b, 0, 0)),
        ],
        out_specs=[
            pl.BlockSpec((1, 1, _TA), lambda b: (b, 0, 0)),
            pl.BlockSpec((1, 1, _TA), lambda b: (b, 0, 0)),
        ],
        out_shape=[
            jax.ShapeDtypeStruct((_B, 1, _A), jnp.float32),
            jax.ShapeDtypeStruct((_B, 1, _A), jnp.float32),
        ],
    )(cls_pred, cls_tar)

    outT = pl.pallas_call(
        _combine_kernel,
        grid=(_B,),
        in_specs=[
            pl.BlockSpec((1, 1, _TA), lambda b: (b, 0, 0)),
            pl.BlockSpec((1, 1, _TA), lambda b: (b, 0, 0)),
            pl.BlockSpec((1, 1, _TA), lambda b: (b, 0, 0)),
            pl.BlockSpec((1, 1, _TA), lambda b: (b, 0, 0)),
            pl.BlockSpec((1, 1, 1), lambda b: (b, 0, 0),
                         memory_space=pltpu.SMEM),
        ],
        out_specs=pl.BlockSpec((1, 1, _TA), lambda b: (b, 0, 0)),
        out_shape=jax.ShapeDtypeStruct((_B, 1, _A), jnp.float32),
    )(closs, gl, indT, mskv, cnt32)

    return outT.reshape(_B, _A, 1)

# --- scband reference (transcript-rebuilt; emitter-appended) ---
"""Pipeline reference for scband-dwlmlayer-67095979099071 (READ-ONLY COPY).

The authoritative reference and input builder live on the scoring server;
editing this copy changes nothing except your own understanding.
"""

import jax, jax.numpy as jnp
import numpy as np

B = 16
A = 8525
NC = 80
NOBJ = 8
_FMAP_AREA = [6400, 1600, 400, 100, 25]

def _make_detections():
    det = np.zeros((5, A), dtype=np.float32)
    off = 0
    for i, a in enumerate(_FMAP_AREA):
        det[i, off:off + a] = 1.0
        off += a
    return det

_DET = _make_detections()

def _focal(y_true, y_pred, alpha=0.25, gamma=2.0):
    p = jax.nn.sigmoid(y_pred)
    eps = 1e-7
    ce = -(y_true * jnp.log(p + eps) + (1.0 - y_true) * jnp.log(1.0 - p + eps))
    p_t = y_true * p + (1.0 - y_true) * (1.0 - p)
    a_t = y_true * alpha + (1.0 - y_true) * (1.0 - alpha)
    return jnp.sum(a_t * jnp.power(1.0 - p_t, gamma) * ce, axis=-1)

def _giou(b_true, b_pred):
    eps = 1e-7
    tx1 = jnp.minimum(b_true[..., 0], b_true[..., 2]); tx2 = jnp.maximum(b_true[..., 0], b_true[..., 2])
    ty1 = jnp.minimum(b_true[..., 1], b_true[..., 3]); ty2 = jnp.maximum(b_true[..., 1], b_true[..., 3])
    px1 = jnp.minimum(b_pred[..., 0], b_pred[..., 2]); px2 = jnp.maximum(b_pred[..., 0], b_pred[..., 2])
    py1 = jnp.minimum(b_pred[..., 1], b_pred[..., 3]); py2 = jnp.maximum(b_pred[..., 1], b_pred[..., 3])
    iw = jnp.maximum(jnp.minimum(tx2, px2) - jnp.maximum(tx1, px1), 0.0)
    ih = jnp.maximum(jnp.minimum(ty2, py2) - jnp.maximum(ty1, py1), 0.0)
    inter = iw * ih
    area_t = (tx2 - tx1) * (ty2 - ty1)
    area_p = (px2 - px1) * (py2 - py1)
    union = area_t + area_p - inter
    iou = inter / (union + eps)
    ew = jnp.maximum(tx2, px2) - jnp.minimum(tx1, px1)
    eh = jnp.maximum(ty2, py2) - jnp.minimum(ty1, py1)
    enc = ew * eh
    giou = iou - (enc - union) / (enc + eps)
    return 1.0 - giou

def _forward(cls_pred, loc_pred, cls_tar, loc_tar, ind_tar, bboxes_cnt):
    cls_loss = _focal(cls_tar[..., :-2], cls_pred)
    loc_loss = _giou(loc_tar, loc_pred)
    total = cls_loss + loc_loss
    ind = ind_tar[..., 0].astype(jnp.int32)
    cnts = bboxes_cnt[..., 0].astype(jnp.int32)
    det = jnp.asarray(_DET)
    outs = []
    for b in range(B):
        tgt = jnp.zeros((A,), jnp.float32)
        for oid in range(NOBJ):
            om = jnp.where(ind[b] == oid, 1.0, 0.0)
            dm = om[None, :] * det
            ol = total[b][None, :] * dm
            mean = jnp.sum(ol, axis=1) / jnp.maximum(1.0, jnp.sum(dm, axis=1))
            mn = jnp.min(mean); mx = jnp.max(mean)
            t = 1.0 - (mean - mn) / (mx - mn)
            mw = jax.lax.top_k(t, 4)[0][-1]
            t = jnp.where(t > mw, t, 0.0)
            contrib = jnp.sum(t[:, None] * dm, axis=0)
            tgt = tgt + jnp.where(oid < cnts[b], contrib, jnp.zeros_like(contrib))
        outs.append(tgt)
    dwlm = jnp.stack(outs, axis=0)
    masked = jnp.where(cls_tar[..., -1] > 0.0, dwlm, 1.0)
    return masked[..., None]

def setup_inputs(seed: int = 0):
    key = jax.random.key(seed)
    k1, k2, k3, k4, k5, k6 = jax.random.split(key, 6)
    return {
        "cls_pred": jax.random.normal(k1, (B, A, NC), jnp.float32),
        "loc_pred": jax.random.uniform(k2, (B, A, 4), dtype=jnp.float32),
        "cls_tar": jax.random.uniform(k3, (B, A, NC + 2), dtype=jnp.float32),
        "loc_tar": jax.random.uniform(k4, (B, A, 4), dtype=jnp.float32),
        "ind_tar": jax.random.randint(k5, (B, A, 1), 0, NOBJ),
        "bboxes_cnt": jax.random.randint(k6, (B, 1), 1, NOBJ + 1),
    }

def reference(cls_pred, loc_pred, cls_tar, loc_tar, ind_tar, bboxes_cnt):
    return _forward(cls_pred, loc_pred, cls_tar, loc_tar, ind_tar, bboxes_cnt)

if __name__ == "__main__":
    import jax
    _d = setup_inputs()
    print(jax.jit(kernel)(*tuple(_d.values())))

</pallas_src>

<mosaic_0001>
#map = affine_map<(d0, d1) -> (0)>
module attributes {stable_mosaic.version = 14 : i64} {
  func.func @_giou_sc(%arg0: i32, %arg1: i32, %arg2: memref<545600xf32, #tpu.memory_space<hbm>>, %arg3: memref<545600xf32, #tpu.memory_space<hbm>>, %arg4: memref<136400xf32, #tpu.memory_space<hbm>>, %arg5: memref<17088xf32, #tpu.memory_space<vmem>>, %arg6: memref<17088xf32, #tpu.memory_space<vmem>>, %arg7: memref<4272xf32, #tpu.memory_space<vmem>>) attributes {dimension_semantics = [#tpu.dimension_semantics<core_parallel>, #tpu.dimension_semantics<subcore_parallel>], iteration_bounds = array<i64: 2, 16>, scalar_prefetch = 0 : i64, scratch_operands = 3 : i64, tpu.core_type = #tpu.core_type<sc_vector_subcore>, window_params = [{transform_indices = #map}, {transform_indices = #map}, {transform_indices = #map}]} {
    %mul3A = arith.constant 2 : i32
    %mul3A_0 = arith.muli %arg1, %mul3A : i32
    %add3A = arith.addi %mul3A_0, %arg0 : i32
    %mul3A_1 = arith.constant 4264 : i32
    %mul3A_2 = arith.muli %add3A, %mul3A_1 : i32
    %lt3A = arith.constant 31 : i32
    %lt3A_3 = arith.cmpi slt, %add3A, %lt3A : i32
    %convert_element_type3A = arith.extui %lt3A_3 : i1 to i32
    %cond3A = arith.constant 0 : i32
    %cond3A_4 = arith.cmpi ne, %convert_element_type3A, %cond3A : i32
    scf.if %cond3A_4 {
      %mul3A_140 = arith.constant 4 : i32
      %mul3A_141 = arith.muli %mul3A_2, %mul3A_140 : i32
      "tpu.region"() ({
        %run_scoped3A = tpu.sem_alloc : memref<!tpu.dma_semaphore, #tpu.memory_space<semaphore_mem>>
        %dma_start3A = arith.constant 0 : i32
        %dma_start3A_144 = tpu.memref_slice %arg5[%dma_start3A] : memref<17088xf32, #tpu.memory_space<vmem>> -> memref<17056xf32, #tpu.memory_space<vmem>>
        %dma_start3A_145 = tpu.memref_slice %arg2[%mul3A_141] : memref<545600xf32, #tpu.memory_space<hbm>> -> memref<17056xf32, #tpu.memory_space<hbm>>
        %dma_start3A_146 = arith.constant 0 : i32
        %dma_start3A_147 = tpu.memref_slice %arg5[%dma_start3A_146] : memref<17088xf32, #tpu.memory_space<vmem>> -> memref<17056xf32, #tpu.memory_space<vmem>>
        %dma_start3A_148 = tpu.memref_slice %arg2[%mul3A_141] : memref<545600xf32, #tpu.memory_space<hbm>> -> memref<17056xf32, #tpu.memory_space<hbm>>
        tpu.enqueue_dma source(%dma_start3A_148 : memref<17056xf32, #tpu.memory_space<hbm>>) target(%dma_start3A_147 : memref<17056xf32, #tpu.memory_space<vmem>>) target_semaphore(%run_scoped3A : memref<!tpu.dma_semaphore, #tpu.memory_space<semaphore_mem>>)
        %dma_wait3A = arith.constant 0 : i32
        %dma_wait3A_149 = tpu.memref_slice %arg5[%dma_wait3A] : memref<17088xf32, #tpu.memory_space<vmem>> -> memref<17056xf32, #tpu.memory_space<vmem>>
        %dma_wait3A_150 = tpu.memref_slice %arg2[%mul3A_141] : memref<545600xf32, #tpu.memory_space<hbm>> -> memref<17056xf32, #tpu.memory_space<hbm>>
        %dma_wait3A_151 = arith.constant 0 : i32
        %dma_wait3A_152 = tpu.memref_slice %arg5[%dma_wait3A_151] : memref<17088xf32, #tpu.memory_space<vmem>> -> memref<17056xf32, #tpu.memory_space<vmem>>
        %dma_wait3A_153 = tpu.memref_slice %arg2[%mul3A_141] : memref<545600xf32, #tpu.memory_space<hbm>> -> memref<17056xf32, #tpu.memory_space<hbm>>
        tpu.wait_dma2 semaphore(%run_scoped3A : memref<!tpu.dma_semaphore, #tpu.memory_space<semaphore_mem>>) src(%dma_wait3A_153 : memref<17056xf32, #tpu.memory_space<hbm>>) dst(%dma_wait3A_152 : memref<17056xf32, #tpu.memory_space<vmem>>)
        tpu.yield
      }) : () -> ()
      %mul3A_142 = arith.constant 4 : i32
      %mul3A_143 = arith.muli %mul3A_2, %mul3A_142 : i32
      "tpu.region"() ({
        %run_scoped3A = tpu.sem_alloc : memref<!tpu.dma_semaphore, #tpu.memory_space<semaphore_mem>>
        %dma_start3A = arith.constant 0 : i32
        %dma_start3A_144 = tpu.memref_slice %arg6[%dma_start3A] : memref<17088xf32, #tpu.memory_space<vmem>> -> memref<17056xf32, #tpu.memory_space<vmem>>
        %dma_start3A_145 = tpu.memref_slice %arg3[%mul3A_143] : memref<545600xf32, #tpu.memory_space<hbm>> -> memref<17056xf32, #tpu.memory_space<hbm>>
        %dma_start3A_146 = arith.constant 0 : i32
        %dma_start3A_147 = tpu.memref_slice %arg6[%dma_start3A_146] : memref<17088xf32, #tpu.memory_space<vmem>> -> memref<17056xf32, #tpu.memory_space<vmem>>
        %dma_start3A_148 = tpu.memref_slice %arg3[%mul3A_143] : memref<545600xf32, #tpu.memory_space<hbm>> -> memref<17056xf32, #tpu.memory_space<hbm>>
        tpu.enqueue_dma source(%dma_start3A_148 : memref<17056xf32, #tpu.memory_space<hbm>>) target(%dma_start3A_147 : memref<17056xf32, #tpu.memory_space<vmem>>) target_semaphore(%run_scoped3A : memref<!tpu.dma_semaphore, #tpu.memory_space<semaphore_mem>>)
        %dma_wait3A = arith.constant 0 : i32
        %dma_wait3A_149 = tpu.memref_slice %arg6[%dma_wait3A] : memref<17088xf32, #tpu.memory_space<vmem>> -> memref<17056xf32, #tpu.memory_space<vmem>>
        %dma_wait3A_150 = tpu.memref_slice %arg3[%mul3A_143] : memref<545600xf32, #tpu.memory_space<hbm>> -> memref<17056xf32, #tpu.memory_space<hbm>>
        %dma_wait3A_151 = arith.constant 0 : i32
        %dma_wait3A_152 = tpu.memref_slice %arg6[%dma_wait3A_151] : memref<17088xf32, #tpu.memory_space<vmem>> -> memref<17056xf32, #tpu.memory_space<vmem>>
        %dma_wait3A_153 = tpu.memref_slice %arg3[%mul3A_143] : memref<545600xf32, #tpu.memory_space<hbm>> -> memref<17056xf32, #tpu.memory_space<hbm>>
        tpu.wait_dma2 semaphore(%run_scoped3A : memref<!tpu.dma_semaphore, #tpu.memory_space<semaphore_mem>>) src(%dma_wait3A_153 : memref<17056xf32, #tpu.memory_space<hbm>>) dst(%dma_wait3A_152 : memref<17056xf32, #tpu.memory_space<vmem>>)
        tpu.yield
      }) : () -> ()
    } else {
    }
    %eq3A = arith.constant 31 : i32
    %eq3A_5 = arith.cmpi eq, %add3A, %eq3A : i32
    %convert_element_type3A_6 = arith.extui %eq3A_5 : i1 to i32
    %cond3A_7 = arith.constant 0 : i32
    %cond3A_8 = arith.cmpi ne, %convert_element_type3A_6, %cond3A_7 : i32
    scf.if %cond3A_8 {
      %mul3A_140 = arith.constant 4 : i32
      %mul3A_141 = arith.muli %mul3A_2, %mul3A_140 : i32
      "tpu.region"() ({
        %run_scoped3A = tpu.sem_alloc : memref<!tpu.dma_semaphore, #tpu.memory_space<semaphore_mem>>
        %dma_start3A = arith.constant 0 : i32
        %dma_start3A_144 = tpu.memref_slice %arg5[%dma_start3A] : memref<17088xf32, #tpu.memory_space<vmem>> -> memref<16864xf32, #tpu.memory_space<vmem>>
        %dma_start3A_145 = tpu.memref_slice %arg2[%mul3A_141] : memref<545600xf32, #tpu.memory_space<hbm>> -> memref<16864xf32, #tpu.memory_space<hbm>>
        %dma_start3A_146 = arith.constant 0 : i32
        %dma_start3A_147 = tpu.memref_slice %arg5[%dma_start3A_146] : memref<17088xf32, #tpu.memory_space<vmem>> -> memref<16864xf32, #tpu.memory_space<vmem>>
        %dma_start3A_148 = tpu.memref_slice %arg2[%mul3A_141] : memref<545600xf32, #tpu.memory_space<hbm>> -> memref<16864xf32, #tpu.memory_space<hbm>>
        tpu.enqueue_dma source(%dma_start3A_148 : memref<16864xf32, #tpu.memory_space<hbm>>) target(%dma_start3A_147 : memref<16864xf32, #tpu.memory_space<vmem>>) target_semaphore(%run_scoped3A : memref<!tpu.dma_semaphore, #tpu.memory_space<semaphore_mem>>)
        %dma_wait3A = arith.constant 0 : i32
        %dma_wait3A_149 = tpu.memref_slice %arg5[%dma_wait3A] : memref<17088xf32, #tpu.memory_space<vmem>> -> memref<16864xf32, #tpu.memory_space<vmem>>
        %dma_wait3A_150 = tpu.memref_slice %arg2[%mul3A_141] : memref<545600xf32, #tpu.memory_space<hbm>> -> memref<16864xf32, #tpu.memory_space<hbm>>
        %dma_wait3A_151 = arith.constant 0 : i32
        %dma_wait3A_152 = tpu.memref_slice %arg5[%dma_wait3A_151] : memref<17088xf32, #tpu.memory_space<vmem>> -> memref<16864xf32, #tpu.memory_space<vmem>>
        %dma_wait3A_153 = tpu.memref_slice %arg2[%mul3A_141] : memref<545600xf32, #tpu.memory_space<hbm>> -> memref<16864xf32, #tpu.memory_space<hbm>>
        tpu.wait_dma2 semaphore(%run_scoped3A : memref<!tpu.dma_semaphore, #tpu.memory_space<semaphore_mem>>) src(%dma_wait3A_153 : memref<16864xf32, #tpu.memory_space<hbm>>) dst(%dma_wait3A_152 : memref<16864xf32, #tpu.memory_space<vmem>>)
        tpu.yield
      }) : () -> ()
      %mul3A_142 = arith.constant 4 : i32
      %mul3A_143 = arith.muli %mul3A_2, %mul3A_142 : i32
      "tpu.region"() ({
        %run_scoped3A = tpu.sem_alloc : memref<!tpu.dma_semaphore, #tpu.memory_space<semaphore_mem>>
        %dma_start3A = arith.constant 0 : i32
        %dma_start3A_144 = tpu.memref_slice %arg6[%dma_start3A] : memref<17088xf32, #tpu.memory_space<vmem>> -> memref<16864xf32, #tpu.memory_space<vmem>>
        %dma_start3A_145 = tpu.memref_slice %arg3[%mul3A_143] : memref<545600xf32, #tpu.memory_space<hbm>> -> memref<16864xf32, #tpu.memory_space<hbm>>
        %dma_start3A_146 = arith.constant 0 : i32
        %dma_start3A_147 = tpu.memref_slice %arg6[%dma_start3A_146] : memref<17088xf32, #tpu.memory_space<vmem>> -> memref<16864xf32, #tpu.memory_space<vmem>>
        %dma_start3A_148 = tpu.memref_slice %arg3[%mul3A_143] : memref<545600xf32, #tpu.memory_space<hbm>> -> memref<16864xf32, #tpu.memory_space<hbm>>
        tpu.enqueue_dma source(%dma_start3A_148 : memref<16864xf32, #tpu.memory_space<hbm>>) target(%dma_start3A_147 : memref<16864xf32, #tpu.memory_space<vmem>>) target_semaphore(%run_scoped3A : memref<!tpu.dma_semaphore, #tpu.memory_space<semaphore_mem>>)
        %dma_wait3A = arith.constant 0 : i32
        %dma_wait3A_149 = tpu.memref_slice %arg6[%dma_wait3A] : memref<17088xf32, #tpu.memory_space<vmem>> -> memref<16864xf32, #tpu.memory_space<vmem>>
        %dma_wait3A_150 = tpu.memref_slice %arg3[%mul3A_143] : memref<545600xf32, #tpu.memory_space<hbm>> -> memref<16864xf32, #tpu.memory_space<hbm>>
        %dma_wait3A_151 = arith.constant 0 : i32
        %dma_wait3A_152 = tpu.memref_slice %arg6[%dma_wait3A_151] : memref<17088xf32, #tpu.memory_space<vmem>> -> memref<16864xf32, #tpu.memory_space<vmem>>
        %dma_wait3A_153 = tpu.memref_slice %arg3[%mul3A_143] : memref<545600xf32, #tpu.memory_space<hbm>> -> memref<16864xf32, #tpu.memory_space<hbm>>
        tpu.wait_dma2 semaphore(%run_scoped3A : memref<!tpu.dma_semaphore, #tpu.memory_space<semaphore_mem>>) src(%dma_wait3A_153 : memref<16864xf32, #tpu.memory_space<hbm>>) dst(%dma_wait3A_152 : memref<16864xf32, #tpu.memory_space<vmem>>)
        tpu.yield
      }) : () -> ()
    } else {
    }
    %iota3A = tpu.iota {dimensions = array<i32: 0>} : vector<16xi32>
    %lt3A_9 = arith.constant 4 : i32
    %lt3A_10 = vector.broadcast %lt3A_9 : i32 to vector<16xi32>
    %lt3A_11 = arith.cmpi slt, %iota3A, %lt3A_10 : vector<16xi32>
    %lt3A_12 = arith.constant 8 : i32
    %lt3A_13 = vector.broadcast %lt3A_12 : i32 to vector<16xi32>
    %lt3A_14 = arith.cmpi slt, %iota3A, %lt3A_13 : vector<16xi32>
    %lt3A_15 = arith.constant 12 : i32
    %lt3A_16 = vector.broadcast %lt3A_15 : i32 to vector<16xi32>
    %lt3A_17 = arith.cmpi slt, %iota3A, %lt3A_16 : vector<16xi32>
    %jit3A = arith.constant 4 : i32
    %eq3A_18 = arith.constant 0 : i32
    %eq3A_19 = arith.cmpi eq, %jit3A, %eq3A_18 : i32
    %jit3A_20 = arith.constant 1 : i32
    %select_n3A = arith.select %eq3A_19, %jit3A_20, %jit3A : i32
    %rem3A = vector.broadcast %select_n3A : i32 to vector<16xi32>
    %rem3A_21 = arith.remsi %iota3A, %rem3A : vector<16xi32>
    %ne3A = arith.constant 0 : i32
    %ne3A_22 = vector.broadcast %ne3A : i32 to vector<16xi32>
    %ne3A_23 = arith.cmpi ne, %rem3A_21, %ne3A_22 : vector<16xi32>
    %lt3A_24 = arith.constant 0 : i32
    %lt3A_25 = vector.broadcast %lt3A_24 : i32 to vector<16xi32>
    %lt3A_26 = arith.cmpi slt, %rem3A_21, %lt3A_25 : vector<16xi32>
    %lt3A_27 = arith.constant 0 : i32
    %lt3A_28 = arith.cmpi slt, %select_n3A, %lt3A_27 : i32
    %ne3A_29 = vector.broadcast %lt3A_28 : i1 to vector<16xi1>
    %ne3A_30 = vector.broadcast %ne3A_29 : vector<16xi1> to vector<16xi1>
    %ne3A_31 = arith.xori %lt3A_26, %ne3A_30 : vector<16xi1>
    %and3A = arith.andi %ne3A_31, %ne3A_23 : vector<16xi1>
    %add3A_32 = vector.broadcast %select_n3A : i32 to vector<16xi32>
    %add3A_33 = arith.addi %rem3A_21, %add3A_32 : vector<16xi32>
    %select_n3A_34 = arith.select %and3A, %add3A_33, %rem3A_21 : vector<16xi1>, vector<16xi32>
    %mul3A_35 = arith.constant 4 : i32
    %mul3A_36 = vector.broadcast %mul3A_35 : i32 to vector<16xi32>
    %mul3A_37 = arith.muli %select_n3A_34, %mul3A_36 : vector<16xi32>
    %add3A_38 = arith.constant 0 : i32
    %add3A_39 = vector.broadcast %add3A_38 : i32 to vector<16xi32>
    %add3A_40 = arith.addi %mul3A_37, %add3A_39 : vector<16xi32>
    %jit3A_41 = arith.constant 4 : i32
    %eq3A_42 = arith.constant 0 : i32
    %eq3A_43 = arith.cmpi eq, %jit3A_41, %eq3A_42 : i32
    %jit3A_44 = arith.constant 1 : i32
    %select_n3A_45 = arith.select %eq3A_43, %jit3A_44, %jit3A_41 : i32
    %rem3A_46 = vector.broadcast %select_n3A_45 : i32 to vector<16xi32>
    %rem3A_47 = arith.remsi %iota3A, %rem3A_46 : vector<16xi32>
    %ne3A_48 = arith.constant 0 : i32
    %ne3A_49 = vector.broadcast %ne3A_48 : i32 to vector<16xi32>
    %ne3A_50 = arith.cmpi ne, %rem3A_47, %ne3A_49 : vector<16xi32>
    %lt3A_51 = arith.constant 0 : i32
    %lt3A_52 = vector.broadcast %lt3A_51 : i32 to vector<16xi32>
    %lt3A_53 = arith.cmpi slt, %rem3A_47, %lt3A_52 : vector<16xi32>
    %lt3A_54 = arith.constant 0 : i32
    %lt3A_55 = arith.cmpi slt, %select_n3A_45, %lt3A_54 : i32
    %ne3A_56 = vector.broadcast %lt3A_55 : i1 to vector<16xi1>
    %ne3A_57 = vector.broadcast %ne3A_56 : vector<16xi1> to vector<16xi1>
    %ne3A_58 = arith.xori %lt3A_53, %ne3A_57 : vector<16xi1>
    %and3A_59 = arith.andi %ne3A_58, %ne3A_50 : vector<16xi1>
    %add3A_60 = vector.broadcast %select_n3A_45 : i32 to vector<16xi32>
    %add3A_61 = arith.addi %rem3A_47, %add3A_60 : vector<16xi32>
    %select_n3A_62 = arith.select %and3A_59, %add3A_61, %rem3A_47 : vector<16xi1>, vector<16xi32>
    %mul3A_63 = arith.constant 4 : i32
    %mul3A_64 = vector.broadcast %mul3A_63 : i32 to vector<16xi32>
    %mul3A_65 = arith.muli %select_n3A_62, %mul3A_64 : vector<16xi32>
    %add3A_66 = arith.constant 1 : i32
    %add3A_67 = vector.broadcast %add3A_66 : i32 to vector<16xi32>
    %add3A_68 = arith.addi %mul3A_65, %add3A_67 : vector<16xi32>
    %jit3A_69 = arith.constant 4 : i32
    %eq3A_70 = arith.constant 0 : i32
    %eq3A_71 = arith.cmpi eq, %jit3A_69, %eq3A_70 : i32
    %jit3A_72 = arith.constant 1 : i32
    %select_n3A_73 = arith.select %eq3A_71, %jit3A_72, %jit3A_69 : i32
    %rem3A_74 = vector.broadcast %select_n3A_73 : i32 to vector<16xi32>
    %rem3A_75 = arith.remsi %iota3A, %rem3A_74 : vector<16xi32>
    %ne3A_76 = arith.constant 0 : i32
    %ne3A_77 = vector.broadcast %ne3A_76 : i32 to vector<16xi32>
    %ne3A_78 = arith.cmpi ne, %rem3A_75, %ne3A_77 : vector<16xi32>
    %lt3A_79 = arith.constant 0 : i32
    %lt3A_80 = vector.broadcast %lt3A_79 : i32 to vector<16xi32>
    %lt3A_81 = arith.cmpi slt, %rem3A_75, %lt3A_80 : vector<16xi32>
    %lt3A_82 = arith.constant 0 : i32
    %lt3A_83 = arith.cmpi slt, %select_n3A_73, %lt3A_82 : i32
    %ne3A_84 = vector.broadcast %lt3A_83 : i1 to vector<16xi1>
    %ne3A_85 = vector.broadcast %ne3A_84 : vector<16xi1> to vector<16xi1>
    %ne3A_86 = arith.xori %lt3A_81, %ne3A_85 : vector<16xi1>
    %and3A_87 = arith.andi %ne3A_86, %ne3A_78 : vector<16xi1>
    %add3A_88 = vector.broadcast %select_n3A_73 : i32 to vector<16xi32>
    %add3A_89 = arith.addi %rem3A_75, %add3A_88 : vector<16xi32>
    %select_n3A_90 = arith.select %and3A_87, %add3A_89, %rem3A_75 : vector<16xi1>, vector<16xi32>
    %mul3A_91 = arith.constant 4 : i32
    %mul3A_92 = vector.broadcast %mul3A_91 : i32 to vector<16xi32>
    %mul3A_93 = arith.muli %select_n3A_90, %mul3A_92 : vector<16xi32>
    %add3A_94 = arith.constant 2 : i32
    %add3A_95 = vector.broadcast %add3A_94 : i32 to vector<16xi32>
    %add3A_96 = arith.addi %mul3A_93, %add3A_95 : vector<16xi32>
    %jit3A_97 = arith.constant 4 : i32
    %eq3A_98 = arith.constant 0 : i32
    %eq3A_99 = arith.cmpi eq, %jit3A_97, %eq3A_98 : i32
    %jit3A_100 = arith.constant 1 : i32
    %select_n3A_101 = arith.select %eq3A_99, %jit3A_100, %jit3A_97 : i32
    %rem3A_102 = vector.broadcast %select_n3A_101 : i32 to vector<16xi32>
    %rem3A_103 = arith.remsi %iota3A, %rem3A_102 : vector<16xi32>
    %ne3A_104 = arith.constant 0 : i32
    %ne3A_105 = vector.broadcast %ne3A_104 : i32 to vector<16xi32>
    %ne3A_106 = arith.cmpi ne, %rem3A_103, %ne3A_105 : vector<16xi32>
    %lt3A_107 = arith.constant 0 : i32
    %lt3A_108 = vector.broadcast %lt3A_107 : i32 to vector<16xi32>
    %lt3A_109 = arith.cmpi slt, %rem3A_103, %lt3A_108 : vector<16xi32>
    %lt3A_110 = arith.constant 0 : i32
    %lt3A_111 = arith.cmpi slt, %select_n3A_101, %lt3A_110 : i32
    %ne3A_112 = vector.broadcast %lt3A_111 : i1 to vector<16xi1>
    %ne3A_113 = vector.broadcast %ne3A_112 : vector<16xi1> to vector<16xi1>
    %ne3A_114 = arith.xori %lt3A_109, %ne3A_113 : vector<16xi1>
    %and3A_115 = arith.andi %ne3A_114, %ne3A_106 : vector<16xi1>
    %add3A_116 = vector.broadcast %select_n3A_101 : i32 to vector<16xi32>
    %add3A_117 = arith.addi %rem3A_103, %add3A_116 : vector<16xi32>
    %select_n3A_118 = arith.select %and3A_115, %add3A_117, %rem3A_103 : vector<16xi1>, vector<16xi32>
    %mul3A_119 = arith.constant 4 : i32
    %mul3A_120 = vector.broadcast %mul3A_119 : i32 to vector<16xi32>
    %mul3A_121 = arith.muli %select_n3A_118, %mul3A_120 : vector<16xi32>
    %add3A_122 = arith.constant 3 : i32
    %add3A_123 = vector.broadcast %add3A_122 : i32 to vector<16xi32>
    %add3A_124 = arith.addi %mul3A_121, %add3A_123 : vector<16xi32>
    %scan3A = arith.constant 0 : i32
    %scan3A_125 = arith.constant 0 : i32
    %scan3A_126 = arith.constant 267 : i32
    %scan3A_127 = arith.addi %scan3A_125, %scan3A_126 : i32
    %scan3A_128 = arith.constant 1 : i32
    scf.for %scan3A_140 = %scan3A_125 to %scan3A_127 step %scan3A_128  : i32 {
      %mul3A_141 = arith.constant 64 : i32
      %mul3A_142 = arith.muli %scan3A_140, %mul3A_141 : i32
      %add3A_143 = arith.constant 0 : i32
      %add3A_144 = arith.addi %mul3A_142, %add3A_143 : i32
      %get3A = arith.index_cast %add3A_144 : i32 to index
      %get3A_145 = tpu.vector_load %arg6[%get3A] {strides = array<i32>} : memref<17088xf32, #tpu.memory_space<vmem>>, vector<16xf32>,
      %get3A_146 = vector.shape_cast %get3A_145 : vector<16xf32> to vector<16xf32>
      %mul3A_147 = arith.constant 64 : i32
      %mul3A_148 = arith.muli %scan3A_140, %mul3A_147 : i32
      %add3A_149 = arith.constant 16 : i32
      %add3A_150 = arith.addi %mul3A_148, %add3A_149 : i32
      %get3A_151 = arith.index_cast %add3A_150 : i32 to index
      %get3A_152 = tpu.vector_load %arg6[%get3A_151] {strides = array<i32>} : memref<17088xf32, #tpu.memory_space<vmem>>, vector<16xf32>,
      %get3A_153 = vector.shape_cast %get3A_152 : vector<16xf32> to vector<16xf32>
      %mul3A_154 = arith.constant 64 : i32
      %mul3A_155 = arith.muli %scan3A_140, %mul3A_154 : i32
      %add3A_156 = arith.constant 32 : i32
      %add3A_157 = arith.addi %mul3A_155, %add3A_156 : i32
      %get3A_158 = arith.index_cast %add3A_157 : i32 to index
      %get3A_159 = tpu.vector_load %arg6[%get3A_158] {strides = array<i32>} : memref<17088xf32, #tpu.memory_space<vmem>>, vector<16xf32>,
      %get3A_160 = vector.shape_cast %get3A_159 : vector<16xf32> to vector<16xf32>
      %mul3A_161 = arith.constant 64 : i32
      %mul3A_162 = arith.muli %scan3A_140, %mul3A_161 : i32
      %add3A_163 = arith.constant 48 : i32
      %add3A_164 = arith.addi %mul3A_162, %add3A_163 : i32
      %get3A_165 = arith.index_cast %add3A_164 : i32 to index
      %get3A_166 = tpu.vector_load %arg6[%get3A_165] {strides = array<i32>} : memref<17088xf32, #tpu.memory_space<vmem>>, vector<16xf32>,
      %get3A_167 = vector.shape_cast %get3A_166 : vector<16xf32> to vector<16xf32>
      %broadcast_in_dim3A = vector.shape_cast %add3A_40 : vector<16xi32> to vector<16x1xi32>
      %gather3A = vector.shape_cast %broadcast_in_dim3A : vector<16x1xi32> to vector<16xi32>
      %gather3A_168 = tpu.dynamic_gather %get3A_146[%gather3A] in [0] : vector<16xf32>, vector<16xi32> -> vector<16xf32>
      %broadcast_in_dim3A_169 = vector.shape_cast %add3A_40 : vector<16xi32> to vector<16x1xi32>
      %gather3A_170 = vector.shape_cast %broadcast_in_dim3A_169 : vector<16x1xi32> to vector<16xi32>
      %gather3A_171 = tpu.dynamic_gather %get3A_153[%gather3A_170] in [0] : vector<16xf32>, vector<16xi32> -> vector<16xf32>
      %broadcast_in_dim3A_172 = vector.shape_cast %add3A_40 : vector<16xi32> to vector<16x1xi32>
      %gather3A_173 = vector.shape_cast %broadcast_in_dim3A_172 : vector<16x1xi32> to vector<16xi32>
      %gather3A_174 = tpu.dynamic_gather %get3A_160[%gather3A_173] in [0] : vector<16xf32>, vector<16xi32> -> vector<16xf32>
      %broadcast_in_dim3A_175 = vector.shape_cast %add3A_40 : vector<16xi32> to vector<16x1xi32>
      %gather3A_176 = vector.shape_cast %broadcast_in_dim3A_175 : vector<16x1xi32> to vector<16xi32>
      %gather3A_177 = tpu.dynamic_gather %get3A_167[%gather3A_176] in [0] : vector<16xf32>, vector<16xi32> -> vector<16xf32>
      %select_n3A_178 = arith.select %lt3A_17, %gather3A_174, %gather3A_177 : vector<16xi1>, vector<16xf32>
      %select_n3A_179 = arith.select %lt3A_14, %gather3A_171, %select_n3A_178 : vector<16xi1>, vector<16xf32>
      %select_n3A_180 = arith.select %lt3A_11, %gather3A_168, %select_n3A_179 : vector<16xi1>, vector<16xf32>
      %mul3A_181 = arith.constant 64 : i32
      %mul3A_182 = arith.muli %scan3A_140, %mul3A_181 : i32
      %add3A_183 = arith.constant 0 : i32
      %add3A_184 = arith.addi %mul3A_182, %add3A_183 : i32
      %get3A_185 = arith.index_cast %add3A_184 : i32 to index
      %get3A_186 = tpu.vector_load %arg6[%get3A_185] {strides = array<i32>} : memref<17088xf32, #tpu.memory_space<vmem>>, vector<16xf32>,
      %get3A_187 = vector.shape_cast %get3A_186 : vector<16xf32> to vector<16xf32>
      %mul3A_188 = arith.constant 64 : i32
      %mul3A_189 = arith.muli %scan3A_140, %mul3A_188 : i32
      %add3A_190 = arith.constant 16 : i32
      %add3A_191 = arith.addi %mul3A_189, %add3A_190 : i32
      %get3A_192 = arith.index_cast %add3A_191 : i32 to index
      %get3A_193 = tpu.vector_load %arg6[%get3A_192] {strides = array<i32>} : memref<17088xf32, #tpu.memory_space<vmem>>, vector<16xf32>,
      %get3A_194 = vector.shape_cast %get3A_193 : vector<16xf32> to vector<16xf32>
      %mul3A_195 = arith.constant 64 : i32
      %mul3A_196 = arith.muli %scan3A_140, %mul3A_195 : i32
      %add3A_197 = arith.constant 32 : i32
      %add3A_198 = arith.addi %mul3A_196, %add3A_197 : i32
      %get3A_199 = arith.index_cast %add3A_198 : i32 to index
      %get3A_200 = tpu.vector_load %arg6[%get3A_199] {strides = array<i32>} : memref<17088xf32, #tpu.memory_space<vmem>>, vector<16xf32>,
      %get3A_201 = vector.shape_cast %get3A_200 : vector<16xf32> to vector<16xf32>
      %mul3A_202 = arith.constant 64 : i32
      %mul3A_203 = arith.muli %scan3A_140, %mul3A_202 : i32
      %add3A_204 = arith.constant 48 : i32
      %add3A_205 = arith.addi %mul3A_203, %add3A_204 : i32
      %get3A_206 = arith.index_cast %add3A_205 : i32 to index
      %get3A_207 = tpu.vector_load %arg6[%get3A_206] {strides = array<i32>} : memref<17088xf32, #tpu.memory_space<vmem>>, vector<16xf32>,
      %get3A_208 = vector.shape_cast %get3A_207 : vector<16xf32> to vector<16xf32>
      %broadcast_in_dim3A_209 = vector.shape_cast %add3A_68 : vector<16xi32> to vector<16x1xi32>
      %gather3A_210 = vector.shape_cast %broadcast_in_dim3A_209 : vector<16x1xi32> to vector<16xi32>
      %gather3A_211 = tpu.dynamic_gather %get3A_187[%gather3A_210] in [0] : vector<16xf32>, vector<16xi32> -> vector<16xf32>
      %broadcast_in_dim3A_212 = vector.shape_cast %add3A_68 : vector<16xi32> to vector<16x1xi32>
      %gather3A_213 = vector.shape_cast %broadcast_in_dim3A_212 : vector<16x1xi32> to vector<16xi32>
      %gather3A_214 = tpu.dynamic_gather %get3A_194[%gather3A_213] in [0] : vector<16xf32>, vector<16xi32> -> vector<16xf32>
      %broadcast_in_dim3A_215 = vector.shape_cast %add3A_68 : vector<16xi32> to vector<16x1xi32>
      %gather3A_216 = vector.shape_cast %broadcast_in_dim3A_215 : vector<16x1xi32> to vector<16xi32>
      %gather3A_217 = tpu.dynamic_gather %get3A_201[%gather3A_216] in [0] : vector<16xf32>, vector<16xi32> -> vector<16xf32>
      %broadcast_in_dim3A_218 = vector.shape_cast %add3A_68 : vector<16xi32> to vector<16x1xi32>
      %gather3A_219 = vector.shape_cast %broadcast_in_dim3A_218 : vector<16x1xi32> to vector<16xi32>
      %gather3A_220 = tpu.dynamic_gather %get3A_208[%gather3A_219] in [0] : vector<16xf32>, vector<16xi32> -> vector<16xf32>
      %select_n3A_221 = arith.select %lt3A_17, %gather3A_217, %gather3A_220 : vector<16xi1>, vector<16xf32>
      %select_n3A_222 = arith.select %lt3A_14, %gather3A_214, %select_n3A_221 : vector<16xi1>, vector<16xf32>
      %select_n3A_223 = arith.select %lt3A_11, %gather3A_211, %select_n3A_222 : vector<16xi1>, vector<16xf32>
      %mul3A_224 = arith.constant 64 : i32
      %mul3A_225 = arith.muli %scan3A_140, %mul3A_224 : i32
      %add3A_226 = arith.constant 0 : i32
      %add3A_227 = arith.addi %mul3A_225, %add3A_226 : i32
      %get3A_228 = arith.index_cast %add3A_227 : i32 to index
      %get3A_229 = tpu.vector_load %arg6[%get3A_228] {strides = array<i32>} : memref<17088xf32, #tpu.memory_space<vmem>>, vector<16xf32>,
      %get3A_230 = vector.shape_cast %get3A_229 : vector<16xf32> to vector<16xf32>
      %mul3A_231 = arith.constant 64 : i32
      %mul3A_232 = arith.muli %scan3A_140, %mul3A_231 : i32
      %add3A_233 = arith.constant 16 : i32
      %add3A_234 = arith.addi %mul3A_232, %add3A_233 : i32
      %get3A_235 = arith.index_cast %add3A_234 : i32 to index
      %get3A_236 = tpu.vector_load %arg6[%get3A_235] {strides = array<i32>} : memref<17088xf32, #tpu.memory_space<vmem>>, vector<16xf32>,
      %get3A_237 = vector.shape_cast %get3A_236 : vector<16xf32> to vector<16xf32>
      %mul3A_238 = arith.constant 64 : i32
      %mul3A_239 = arith.muli %scan3A_140, %mul3A_238 : i32
      %add3A_240 = arith.constant 32 : i32
      %add3A_241 = arith.addi %mul3A_239, %add3A_240 : i32
      %get3A_242 = arith.index_cast %add3A_241 : i32 to index
      %get3A_243 = tpu.vector_load %arg6[%get3A_242] {strides = array<i32>} : memref<17088xf32, #tpu.memory_space<vmem>>, vector<16xf32>,
      %get3A_244 = vector.shape_cast %get3A_243 : vector<16xf32> to vector<16xf32>
      %mul3A_245 = arith.constant 64 : i32
      %mul3A_246 = arith.muli %scan3A_140, %mul3A_245 : i32
      %add3A_247 = arith.constant 48 : i32
      %add3A_248 = arith.addi %mul3A_246, %add3A_247 : i32
      %get3A_249 = arith.index_cast %add3A_248 : i32 to index
      %get3A_250 = tpu.vector_load %arg6[%get3A_249] {strides = array<i32>} : memref<17088xf32, #tpu.memory_space<vmem>>, vector<16xf32>,
      %get3A_251 = vector.shape_cast %get3A_250 : vector<16xf32> to vector<16xf32>
      %broadcast_in_dim3A_252 = vector.shape_cast %add3A_96 : vector<16xi32> to vector<16x1xi32>
      %gather3A_253 = vector.shape_cast %broadcast_in_dim3A_252 : vector<16x1xi32> to vector<16xi32>
      %gather3A_254 = tpu.dynamic_gather %get3A_230[%gather3A_253] in [0] : vector<16xf32>, vector<16xi32> -> vector<16xf32>
      %broadcast_in_dim3A_255 = vector.shape_cast %add3A_96 : vector<16xi32> to vector<16x1xi32>
      %gather3A_256 = vector.shape_cast %broadcast_in_dim3A_255 : vector<16x1xi32> to vector<16xi32>
      %gather3A_257 = tpu.dynamic_gather %get3A_237[%gather3A_256] in [0] : vector<16xf32>, vector<16xi32> -> vector<16xf32>
      %broadcast_in_dim3A_258 = vector.shape_cast %add3A_96 : vector<16xi32> to vector<16x1xi32>
      %gather3A_259 = vector.shape_cast %broadcast_in_dim3A_258 : vector<16x1xi32> to vector<16xi32>
      %gather3A_260 = tpu.dynamic_gather %get3A_244[%gather3A_259] in [0] : vector<16xf32>, vector<16xi32> -> vector<16xf32>
      %broadcast_in_dim3A_261 = vector.shape_cast %add3A_96 : vector<16xi32> to vector<16x1xi32>
      %gather3A_262 = vector.shape_cast %broadcast_in_dim3A_261 : vector<16x1xi32> to vector<16xi32>
      %gather3A_263 = tpu.dynamic_gather %get3A_251[%gather3A_262] in [0] : vector<16xf32>, vector<16xi32> -> vector<16xf32>
      %select_n3A_264 = arith.select %lt3A_17, %gather3A_260, %gather3A_263 : vector<16xi1>, vector<16xf32>
      %select_n3A_265 = arith.select %lt3A_14, %gather3A_257, %select_n3A_264 : vector<16xi1>, vector<16xf32>
      %select_n3A_266 = arith.select %lt3A_11, %gather3A_254, %select_n3A_265 : vector<16xi1>, vector<16xf32>
      %mul3A_267 = arith.constant 64 : i32
      %mul3A_268 = arith.muli %scan3A_140, %mul3A_267 : i32
      %add3A_269 = arith.constant 0 : i32
      %add3A_270 = arith.addi %mul3A_268, %add3A_269 : i32
      %get3A_271 = arith.index_cast %add3A_270 : i32 to index
      %get3A_272 = tpu.vector_load %arg6[%get3A_271] {strides = array<i32>} : memref<17088xf32, #tpu.memory_space<vmem>>, vector<16xf32>,
      %get3A_273 = vector.shape_cast %get3A_272 : vector<16xf32> to vector<16xf32>
      %mul3A_274 = arith.constant 64 : i32
      %mul3A_275 = arith.muli %scan3A_140, %mul3A_274 : i32
      %add3A_276 = arith.constant 16 : i32
      %add3A_277 = arith.addi %mul3A_275, %add3A_276 : i32
      %get3A_278 = arith.index_cast %add3A_277 : i32 to index
      %get3A_279 = tpu.vector_load %arg6[%get3A_278] {strides = array<i32>} : memref<17088xf32, #tpu.memory_space<vmem>>, vector<16xf32>,
      %get3A_280 = vector.shape_cast %get3A_279 : vector<16xf32> to vector<16xf32>
      %mul3A_281 = arith.constant 64 : i32
      %mul3A_282 = arith.muli %scan3A_140, %mul3A_281 : i32
      %add3A_283 = arith.constant 32 : i32
      %add3A_284 = arith.addi %mul3A_282, %add3A_283 : i32
      %get3A_285 = arith.index_cast %add3A_284 : i32 to index
      %get3A_286 = tpu.vector_load %arg6[%get3A_285] {strides = array<i32>} : memref<17088xf32, #tpu.memory_space<vmem>>, vector<16xf32>,
      %get3A_287 = vector.shape_cast %get3A_286 : vector<16xf32> to vector<16xf32>
      %mul3A_288 = arith.constant 64 : i32
      %mul3A_289 = arith.muli %scan3A_140, %mul3A_288 : i32
      %add3A_290 = arith.constant 48 : i32
      %add3A_291 = arith.addi %mul3A_289, %add3A_290 : i32
      %get3A_292 = arith.index_cast %add3A_291 : i32 to index
      %get3A_293 = tpu.vector_load %arg6[%get3A_292] {strides = array<i32>} : memref<17088xf32, #tpu.memory_space<vmem>>, vector<16xf32>,
      %get3A_294 = vector.shape_cast %get3A_293 : vector<16xf32> to vector<16xf32>
      %broadcast_in_dim3A_295 = vector.shape_cast %add3A_124 : vector<16xi32> to vector<16x1xi32>
      %gather3A_296 = vector.shape_cast %broadcast_in_dim3A_295 : vector<16x1xi32> to vector<16xi32>
      %gather3A_297 = tpu.dynamic_gather %get3A_273[%gather3A_296] in [0] : vector<16xf32>, vector<16xi32> -> vector<16xf32>
      %broadcast_in_dim3A_298 = vector.shape_cast %add3A_124 : vector<16xi32> to vector<16x1xi32>
      %gather3A_299 = vector.shape_cast %broadcast_in_dim3A_298 : vector<16x1xi32> to vector<16xi32>
      %gather3A_300 = tpu.dynamic_gather %get3A_280[%gather3A_299] in [0] : vector<16xf32>, vector<16xi32> -> vector<16xf32>
      %broadcast_in_dim3A_301 = vector.shape_cast %add3A_124 : vector<16xi32> to vector<16x1xi32>
      %gather3A_302 = vector.shape_cast %broadcast_in_dim3A_301 : vector<16x1xi32> to vector<16xi32>
      %gather3A_303 = tpu.dynamic_gather %get3A_287[%gather3A_302] in [0] : vector<16xf32>, vector<16xi32> -> vector<16xf32>
      %broadcast_in_dim3A_304 = vector.shape_cast %add3A_124 : vector<16xi32> to vector<16x1xi32>
      %gather3A_305 = vector.shape_cast %broadcast_in_dim3A_304 : vector<16x1xi32> to vector<16xi32>
      %gather3A_306 = tpu.dynamic_gather %get3A_294[%gather3A_305] in [0] : vector<16xf32>, vector<16xi32> -> vector<16xf32>
      %select_n3A_307 = arith.select %lt3A_17, %gather3A_303, %gather3A_306 : vector<16xi1>, vector<16xf32>
      %select_n3A_308 = arith.select %lt3A_14, %gather3A_300, %select_n3A_307 : vector<16xi1>, vector<16xf32>
      %select_n3A_309 = arith.select %lt3A_11, %gather3A_297, %select_n3A_308 : vector<16xi1>, vector<16xf32>
      %mul3A_310 = arith.constant 64 : i32
      %mul3A_311 = arith.muli %scan3A_140, %mul3A_310 : i32
      %add3A_312 = arith.constant 0 : i32
      %add3A_313 = arith.addi %mul3A_311, %add3A_312 : i32
      %get3A_314 = arith.index_cast %add3A_313 : i32 to index
      %get3A_315 = tpu.vector_load %arg5[%get3A_314] {strides = array<i32>} : memref<17088xf32, #tpu.memory_space<vmem>>, vector<16xf32>,
      %get3A_316 = vector.shape_cast %get3A_315 : vector<16xf32> to vector<16xf32>
      %mul3A_317 = arith.constant 64 : i32
      %mul3A_318 = arith.muli %scan3A_140, %mul3A_317 : i32
      %add3A_319 = arith.constant 16 : i32
      %add3A_320 = arith.addi %mul3A_318, %add3A_319 : i32
      %get3A_321 = arith.index_cast %add3A_320 : i32 to index
      %get3A_322 = tpu.vector_load %arg5[%get3A_321] {strides = array<i32>} : memref<17088xf32, #tpu.memory_space<vmem>>, vector<16xf32>,
      %get3A_323 = vector.shape_cast %get3A_322 : vector<16xf32> to vector<16xf32>
      %mul3A_324 = arith.constant 64 : i32
      %mul3A_325 = arith.muli %scan3A_140, %mul3A_324 : i32
      %add3A_326 = arith.constant 32 : i32
      %add3A_327 = arith.addi %mul3A_325, %add3A_326 : i32
      %get3A_328 = arith.index_cast %add3A_327 : i32 to index
      %get3A_329 = tpu.vector_load %arg5[%get3A_328] {strides = array<i32>} : memref<17088xf32, #tpu.memory_space<vmem>>, vector<16xf32>,
      %get3A_330 = vector.shape_cast %get3A_329 : vector<16xf32> to vector<16xf32>
      %mul3A_331 = arith.constant 64 : i32
      %mul3A_332 = arith.muli %scan3A_140, %mul3A_331 : i32
      %add3A_333 = arith.constant 48 : i32
      %add3A_334 = arith.addi %mul3A_332, %add3A_333 : i32
      %get3A_335 = arith.index_cast %add3A_334 : i32 to index
      %get3A_336 = tpu.vector_load %arg5[%get3A_335] {strides = array<i32>} : memref<17088xf32, #tpu.memory_space<vmem>>, vector<16xf32>,
      %get3A_337 = vector.shape_cast %get3A_336 : vector<16xf32> to vector<16xf32>
      %broadcast_in_dim3A_338 = vector.shape_cast %add3A_40 : vector<16xi32> to vector<16x1xi32>
      %gather3A_339 = vector.shape_cast %broadcast_in_dim3A_338 : vector<16x1xi32> to vector<16xi32>
      %gather3A_340 = tpu.dynamic_gather %get3A_316[%gather3A_339] in [0] : vector<16xf32>, vector<16xi32> -> vector<16xf32>
      %broadcast_in_dim3A_341 = vector.shape_cast %add3A_40 : vector<16xi32> to vector<16x1xi32>
      %gather3A_342 = vector.shape_cast %broadcast_in_dim3A_341 : vector<16x1xi32> to vector<16xi32>
      %gather3A_343 = tpu.dynamic_gather %get3A_323[%gather3A_342] in [0] : vector<16xf32>, vector<16xi32> -> vector<16xf32>
      %broadcast_in_dim3A_344 = vector.shape_cast %add3A_40 : vector<16xi32> to vector<16x1xi32>
      %gather3A_345 = vector.shape_cast %broadcast_in_dim3A_344 : vector<16x1xi32> to vector<16xi32>
      %gather3A_346 = tpu.dynamic_gather %get3A_330[%gather3A_345] in [0] : vector<16xf32>, vector<16xi32> -> vector<16xf32>
      %broadcast_in_dim3A_347 = vector.shape_cast %add3A_40 : vector<16xi32> to vector<16x1xi32>
      %gather3A_348 = vector.shape_cast %broadcast_in_dim3A_347 : vector<16x1xi32> to vector<16xi32>
      %gather3A_349 = tpu.dynamic_gather %get3A_337[%gather3A_348] in [0] : vector<16xf32>, vector<16xi32> -> vector<16xf32>
      %select_n3A_350 = arith.select %lt3A_17, %gather3A_346, %gather3A_349 : vector<16xi1>, vector<16xf32>
      %select_n3A_351 = arith.select %lt3A_14, %gather3A_343, %select_n3A_350 : vector<16xi1>, vector<16xf32>
      %select_n3A_352 = arith.select %lt3A_11, %gather3A_340, %select_n3A_351 : vector<16xi1>, vector<16xf32>
      %mul3A_353 = arith.constant 64 : i32
      %mul3A_354 = arith.muli %scan3A_140, %mul3A_353 : i32
      %add3A_355 = arith.constant 0 : i32
      %add3A_356 = arith.addi %mul3A_354, %add3A_355 : i32
      %get3A_357 = arith.index_cast %add3A_356 : i32 to index
      %get3A_358 = tpu.vector_load %arg5[%get3A_357] {strides = array<i32>} : memref<17088xf32, #tpu.memory_space<vmem>>, vector<16xf32>,
      %get3A_359 = vector.shape_cast %get3A_358 : vector<16xf32> to vector<16xf32>
      %mul3A_360 = arith.constant 64 : i32
      %mul3A_361 = arith.muli %scan3A_140, %mul3A_360 : i32
      %add3A_362 = arith.constant 16 : i32
      %add3A_363 = arith.addi %mul3A_361, %add3A_362 : i32
      %get3A_364 = arith.index_cast %add3A_363 : i32 to index
      %get3A_365 = tpu.vector_load %arg5[%get3A_364] {strides = array<i32>} : memref<17088xf32, #tpu.memory_space<vmem>>, vector<16xf32>,
      %get3A_366 = vector.shape_cast %get3A_365 : vector<16xf32> to vector<16xf32>
      %mul3A_367 = arith.constant 64 : i32
      %mul3A_368 = arith.muli %scan3A_140, %mul3A_367 : i32
      %add3A_369 = arith.constant 32 : i32
      %add3A_370 = arith.addi %mul3A_368, %add3A_369 : i32
      %get3A_371 = arith.index_cast %add3A_370 : i32 to index
      %get3A_372 = tpu.vector_load %arg5[%get3A_371] {strides = array<i32>} : memref<17088xf32, #tpu.memory_space<vmem>>, vector<16xf32>,
      %get3A_373 = vector.shape_cast %get3A_372 : vector<16xf32> to vector<16xf32>
      %mul3A_374 = arith.constant 64 : i32
      %mul3A_375 = arith.muli %scan3A_140, %mul3A_374 : i32
      %add3A_376 = arith.constant 48 : i32
      %add3A_377 = arith.addi %mul3A_375, %add3A_376 : i32
      %get3A_378 = arith.index_cast %add3A_377 : i32 to index
      %get3A_379 = tpu.vector_load %arg5[%get3A_378] {strides = array<i32>} : memref<17088xf32, #tpu.memory_space<vmem>>, vector<16xf32>,
      %get3A_380 = vector.shape_cast %get3A_379 : vector<16xf32> to vector<16xf32>
      %broadcast_in_dim3A_381 = vector.shape_cast %add3A_68 : vector<16xi32> to vector<16x1xi32>
      %gather3A_382 = vector.shape_cast %broadcast_in_dim3A_381 : vector<16x1xi32> to vector<16xi32>
      %gather3A_383 = tpu.dynamic_gather %get3A_359[%gather3A_382] in [0] : vector<16xf32>, vector<16xi32> -> vector<16xf32>
      %broadcast_in_dim3A_384 = vector.shape_cast %add3A_68 : vector<16xi32> to vector<16x1xi32>
      %gather3A_385 = vector.shape_cast %broadcast_in_dim3A_384 : vector<16x1xi32> to vector<16xi32>
      %gather3A_386 = tpu.dynamic_gather %get3A_366[%gather3A_385] in [0] : vector<16xf32>, vector<16xi32> -> vector<16xf32>
      %broadcast_in_dim3A_387 = vector.shape_cast %add3A_68 : vector<16xi32> to vector<16x1xi32>
      %gather3A_388 = vector.shape_cast %broadcast_in_dim3A_387 : vector<16x1xi32> to vector<16xi32>
      %gather3A_389 = tpu.dynamic_gather %get3A_373[%gather3A_388] in [0] : vector<16xf32>, vector<16xi32> -> vector<16xf32>
      %broadcast_in_dim3A_390 = vector.shape_cast %add3A_68 : vector<16xi32> to vector<16x1xi32>
      %gather3A_391 = vector.shape_cast %broadcast_in_dim3A_390 : vector<16x1xi32> to vector<16xi32>
      %gather3A_392 = tpu.dynamic_gather %get3A_380[%gather3A_391] in [0] : vector<16xf32>, vector<16xi32> -> vector<16xf32>
      %select_n3A_393 = arith.select %lt3A_17, %gather3A_389, %gather3A_392 : vector<16xi1>, vector<16xf32>
      %select_n3A_394 = arith.select %lt3A_14, %gather3A_386, %select_n3A_393 : vector<16xi1>, vector<16xf32>
      %select_n3A_395 = arith.select %lt3A_11, %gather3A_383, %select_n3A_394 : vector<16xi1>, vector<16xf32>
      %mul3A_396 = arith.constant 64 : i32
      %mul3A_397 = arith.muli %scan3A_140, %mul3A_396 : i32
      %add3A_398 = arith.constant 0 : i32
      %add3A_399 = arith.addi %mul3A_397, %add3A_398 : i32
      %get3A_400 = arith.index_cast %add3A_399 : i32 to index
      %get3A_401 = tpu.vector_load %arg5[%get3A_400] {strides = array<i32>} : memref<17088xf32, #tpu.memory_space<vmem>>, vector<16xf32>,
      %get3A_402 = vector.shape_cast %get3A_401 : vector<16xf32> to vector<16xf32>
      %mul3A_403 = arith.constant 64 : i32
      %mul3A_404 = arith.muli %scan3A_140, %mul3A_403 : i32
      %add3A_405 = arith.constant 16 : i32
      %add3A_406 = arith.addi %mul3A_404, %add3A_405 : i32
      %get3A_407 = arith.index_cast %add3A_406 : i32 to index
      %get3A_408 = tpu.vector_load %arg5[%get3A_407] {strides = array<i32>} : memref<17088xf32, #tpu.memory_space<vmem>>, vector<16xf32>,
      %get3A_409 = vector.shape_cast %get3A_408 : vector<16xf32> to vector<16xf32>
      %mul3A_410 = arith.constant 64 : i32
      %mul3A_411 = arith.muli %scan3A_140, %mul3A_410 : i32
      %add3A_412 = arith.constant 32 : i32
      %add3A_413 = arith.addi %mul3A_411, %add3A_412 : i32
      %get3A_414 = arith.index_cast %add3A_413 : i32 to index
      %get3A_415 = tpu.vector_load %arg5[%get3A_414] {strides = array<i32>} : memref<17088xf32, #tpu.memory_space<vmem>>, vector<16xf32>,
      %get3A_416 = vector.shape_cast %get3A_415 : vector<16xf32> to vector<16xf32>
      %mul3A_417 = arith.constant 64 : i32
      %mul3A_418 = arith.muli %scan3A_140, %mul3A_417 : i32
      %add3A_419 = arith.constant 48 : i32
      %add3A_420 = arith.addi %mul3A_418, %add3A_419 : i32
      %get3A_421 = arith.index_cast %add3A_420 : i32 to index
      %get3A_422 = tpu.vector_load %arg5[%get3A_421] {strides = array<i32>} : memref<17088xf32, #tpu.memory_space<vmem>>, vector<16xf32>,
      %get3A_423 = vector.shape_cast %get3A_422 : vector<16xf32> to vector<16xf32>
      %broadcast_in_dim3A_424 = vector.shape_cast %add3A_96 : vector<16xi32> to vector<16x1xi32>
      %gather3A_425 = vector.shape_cast %broadcast_in_dim3A_424 : vector<16x1xi32> to vector<16xi32>
      %gather3A_426 = tpu.dynamic_gather %get3A_402[%gather3A_425] in [0] : vector<16xf32>, vector<16xi32> -> vector<16xf32>
      %broadcast_in_dim3A_427 = vector.shape_cast %add3A_96 : vector<16xi32> to vector<16x1xi32>
      %gather3A_428 = vector.shape_cast %broadcast_in_dim3A_427 : vector<16x1xi32> to vector<16xi32>
      %gather3A_429 = tpu.dynamic_gather %get3A_409[%gather3A_428] in [0] : vector<16xf32>, vector<16xi32> -> vector<16xf32>
      %broadcast_in_dim3A_430 = vector.shape_cast %add3A_96 : vector<16xi32> to vector<16x1xi32>
      %gather3A_431 = vector.shape_cast %broadcast_in_dim3A_430 : vector<16x1xi32> to vector<16xi32>
      %gather3A_432 = tpu.dynamic_gather %get3A_416[%gather3A_431] in [0] : vector<16xf32>, vector<16xi32> -> vector<16xf32>
      %broadcast_in_dim3A_433 = vector.shape_cast %add3A_96 : vector<16xi32> to vector<16x1xi32>
      %gather3A_434 = vector.shape_cast %broadcast_in_dim3A_433 : vector<16x1xi32> to vector<16xi32>
      %gather3A_435 = tpu.dynamic_gather %get3A_423[%gather3A_434] in [0] : vector<16xf32>, vector<16xi32> -> vector<16xf32>
      %select_n3A_436 = arith.select %lt3A_17, %gather3A_432, %gather3A_435 : vector<16xi1>, vector<16xf32>
      %select_n3A_437 = arith.select %lt3A_14, %gather3A_429, %select_n3A_436 : vector<16xi1>, vector<16xf32>
      %select_n3A_438 = arith.select %lt3A_11, %gather3A_426, %select_n3A_437 : vector<16xi1>, vector<16xf32>
      %mul3A_439 = arith.constant 64 : i32
      %mul3A_440 = arith.muli %scan3A_140, %mul3A_439 : i32
      %add3A_441 = arith.constant 0 : i32
      %add3A_442 = arith.addi %mul3A_440, %add3A_441 : i32
      %get3A_443 = arith.index_cast %add3A_442 : i32 to index
      %get3A_444 = tpu.vector_load %arg5[%get3A_443] {strides = array<i32>} : memref<17088xf32, #tpu.memory_space<vmem>>, vector<16xf32>,
      %get3A_445 = vector.shape_cast %get3A_444 : vector<16xf32> to vector<16xf32>
      %mul3A_446 = arith.constant 64 : i32
      %mul3A_447 = arith.muli %scan3A_140, %mul3A_446 : i32
      %add3A_448 = arith.constant 16 : i32
      %add3A_449 = arith.addi %mul3A_447, %add3A_448 : i32
      %get3A_450 = arith.index_cast %add3A_449 : i32 to index
      %get3A_451 = tpu.vector_load %arg5[%get3A_450] {strides = array<i32>} : memref<17088xf32, #tpu.memory_space<vmem>>, vector<16xf32>,
      %get3A_452 = vector.shape_cast %get3A_451 : vector<16xf32> to vector<16xf32>
      %mul3A_453 = arith.constant 64 : i32
      %mul3A_454 = arith.muli %scan3A_140, %mul3A_453 : i32
      %add3A_455 = arith.constant 32 : i32
      %add3A_456 = arith.addi %mul3A_454, %add3A_455 : i32
      %get3A_457 = arith.index_cast %add3A_456 : i32 to index
      %get3A_458 = tpu.vector_load %arg5[%get3A_457] {strides = array<i32>} : memref<17088xf32, #tpu.memory_space<vmem>>, vector<16xf32>,
      %get3A_459 = vector.shape_cast %get3A_458 : vector<16xf32> to vector<16xf32>
      %mul3A_460 = arith.constant 64 : i32
      %mul3A_461 = arith.muli %scan3A_140, %mul3A_460 : i32
      %add3A_462 = arith.constant 48 : i32
      %add3A_463 = arith.addi %mul3A_461, %add3A_462 : i32
      %get3A_464 = arith.index_cast %add3A_463 : i32 to index
      %get3A_465 = tpu.vector_load %arg5[%get3A_464] {strides = array<i32>} : memref<17088xf32, #tpu.memory_space<vmem>>, vector<16xf32>,
      %get3A_466 = vector.shape_cast %get3A_465 : vector<16xf32> to vector<16xf32>
      %broadcast_in_dim3A_467 = vector.shape_cast %add3A_124 : vector<16xi32> to vector<16x1xi32>
      %gather3A_468 = vector.shape_cast %broadcast_in_dim3A_467 : vector<16x1xi32> to vector<16xi32>
      %gather3A_469 = tpu.dynamic_gather %get3A_445[%gather3A_468] in [0] : vector<16xf32>, vector<16xi32> -> vector<16xf32>
      %broadcast_in_dim3A_470 = vector.shape_cast %add3A_124 : vector<16xi32> to vector<16x1xi32>
      %gather3A_471 = vector.shape_cast %broadcast_in_dim3A_470 : vector<16x1xi32> to vector<16xi32>
      %gather3A_472 = tpu.dynamic_gather %get3A_452[%gather3A_471] in [0] : vector<16xf32>, vector<16xi32> -> vector<16xf32>
      %broadcast_in_dim3A_473 = vector.shape_cast %add3A_124 : vector<16xi32> to vector<16x1xi32>
      %gather3A_474 = vector.shape_cast %broadcast_in_dim3A_473 : vector<16x1xi32> to vector<16xi32>
      %gather3A_475 = tpu.dynamic_gather %get3A_459[%gather3A_474] in [0] : vector<16xf32>, vector<16xi32> -> vector<16xf32>
      %broadcast_in_dim3A_476 = vector.shape_cast %add3A_124 : vector<16xi32> to vector<16x1xi32>
      %gather3A_477 = vector.shape_cast %broadcast_in_dim3A_476 : vector<16x1xi32> to vector<16xi32>
      %gather3A_478 = tpu.dynamic_gather %get3A_466[%gather3A_477] in [0] : vector<16xf32>, vector<16xi32> -> vector<16xf32>
      %select_n3A_479 = arith.select %lt3A_17, %gather3A_475, %gather3A_478 : vector<16xi1>, vector<16xf32>
      %select_n3A_480 = arith.select %lt3A_14, %gather3A_472, %select_n3A_479 : vector<16xi1>, vector<16xf32>
      %select_n3A_481 = arith.select %lt3A_11, %gather3A_469, %select_n3A_480 : vector<16xi1>, vector<16xf32>
      %min3A = arith.minimumf %select_n3A_180, %select_n3A_266 : vector<16xf32>
      %max3A = arith.maximumf %select_n3A_180, %select_n3A_266 : vector<16xf32>
      %min3A_482 = arith.minimumf %select_n3A_223, %select_n3A_309 : vector<16xf32>
      %max3A_483 = arith.maximumf %select_n3A_223, %select_n3A_309 : vector<16xf32>
      %min3A_484 = arith.minimumf %select_n3A_352, %select_n3A_438 : vector<16xf32>
      %max3A_485 = arith.maximumf %select_n3A_352, %select_n3A_438 : vector<16xf32>
      %min3A_486 = arith.minimumf %select_n3A_395, %select_n3A_481 : vector<16xf32>
      %max3A_487 = arith.maximumf %select_n3A_395, %select_n3A_481 : vector<16xf32>
      %min3A_488 = arith.minimumf %max3A, %max3A_485 : vector<16xf32>
      %max3A_489 = arith.maximumf %min3A, %min3A_484 : vector<16xf32>
      %sub3A = arith.subf %min3A_488, %max3A_489 : vector<16xf32>
      %max3A_490 = arith.constant 0.000000e+00 : f32
      %max3A_491 = vector.broadcast %max3A_490 : f32 to vector<16xf32>
      %max3A_492 = arith.maximumf %sub3A, %max3A_491 : vector<16xf32>
      %min3A_493 = arith.minimumf %max3A_483, %max3A_487 : vector<16xf32>
      %max3A_494 = arith.maximumf %min3A_482, %min3A_486 : vector<16xf32>
      %sub3A_495 = arith.subf %min3A_493, %max3A_494 : vector<16xf32>
      %max3A_496 = arith.constant 0.000000e+00 : f32
      %max3A_497 = vector.broadcast %max3A_496 : f32 to vector<16xf32>
      %max3A_498 = arith.maximumf %sub3A_495, %max3A_497 : vector<16xf32>
      %mul3A_499 = arith.mulf %max3A_492, %max3A_498 : vector<16xf32>
      %sub3A_500 = arith.subf %max3A, %min3A : vector<16xf32>
      %sub3A_501 = arith.subf %max3A_483, %min3A_482 : vector<16xf32>
      %mul3A_502 = arith.mulf %sub3A_500, %sub3A_501 : vector<16xf32>
      %sub3A_503 = arith.subf %max3A_485, %min3A_484 : vector<16xf32>
      %sub3A_504 = arith.subf %max3A_487, %min3A_486 : vector<16xf32>
      %mul3A_505 = arith.mulf %sub3A_503, %sub3A_504 : vector<16xf32>
      %add3A_506 = arith.addf %mul3A_502, %mul3A_505 : vector<16xf32>
      %sub3A_507 = arith.subf %add3A_506, %mul3A_499 : vector<16xf32>
      %add3A_508 = arith.constant 1.000000e-07 : f32
      %add3A_509 = vector.broadcast %add3A_508 : f32 to vector<16xf32>
      %add3A_510 = arith.addf %sub3A_507, %add3A_509 : vector<16xf32>
      %div3A = arith.divf %mul3A_499, %add3A_510 : vector<16xf32>
      %max3A_511 = arith.maximumf %max3A, %max3A_485 : vector<16xf32>
      %min3A_512 = arith.minimumf %min3A, %min3A_484 : vector<16xf32>
      %sub3A_513 = arith.subf %max3A_511, %min3A_512 : vector<16xf32>
      %max3A_514 = arith.maximumf %max3A_483, %max3A_487 : vector<16xf32>
      %min3A_515 = arith.minimumf %min3A_482, %min3A_486 : vector<16xf32>
      %sub3A_516 = arith.subf %max3A_514, %min3A_515 : vector<16xf32>
      %mul3A_517 = arith.mulf %sub3A_513, %sub3A_516 : vector<16xf32>
      %sub3A_518 = arith.subf %mul3A_517, %sub3A_507 : vector<16xf32>
      %add3A_519 = arith.constant 1.000000e-07 : f32
      %add3A_520 = vector.broadcast %add3A_519 : f32 to vector<16xf32>
      %add3A_521 = arith.addf %mul3A_517, %add3A_520 : vector<16xf32>
      %div3A_522 = arith.divf %sub3A_518, %add3A_521 : vector<16xf32>
      %sub3A_523 = arith.subf %div3A, %div3A_522 : vector<16xf32>
      %sub3A_524 = arith.constant 1.000000e+00 : f32
      %sub3A_525 = vector.broadcast %sub3A_524 : f32 to vector<16xf32>
      %sub3A_526 = arith.subf %sub3A_525, %sub3A_523 : vector<16xf32>
      %mul3A_527 = arith.constant 16 : i32
      %mul3A_528 = arith.muli %scan3A_140, %mul3A_527 : i32
      %swap3A = arith.index_cast %mul3A_528 : i32 to index
      %swap3A_529 = tpu.vector_load %arg7[%swap3A] {strides = array<i32>} : memref<4272xf32, #tpu.memory_space<vmem>>, vector<16xf32>,
      %swap3A_530 = vector.shape_cast %swap3A_529 : vector<16xf32> to vector<16xf32>
      %swap3A_531 = vector.shape_cast %sub3A_526 : vector<16xf32> to vector<16xf32>
      tpu.vector_store %arg7[%swap3A], %swap3A_531 {strides = array<i32>} : memref<4272xf32, #tpu.memory_space<vmem>>, vector<16xf32>,
    }
    %scan3A_129 = arith.constant 267 : i32
    %lt3A_130 = arith.constant 31 : i32
    %lt3A_131 = arith.cmpi slt, %add3A, %lt3A_130 : i32
    %convert_element_type3A_132 = arith.extui %lt3A_131 : i1 to i32
    %cond3A_133 = arith.constant 0 : i32
    %cond3A_134 = arith.cmpi ne, %convert_element_type3A_132, %cond3A_133 : i32
    scf.if %cond3A_134 {
      "tpu.region"() ({
        %run_scoped3A = tpu.sem_alloc : memref<!tpu.dma_semaphore, #tpu.memory_space<semaphore_mem>>
        %dma_start3A = arith.constant 0 : i32
        %dma_start3A_140 = tpu.memref_slice %arg7[%dma_start3A] : memref<4272xf32, #tpu.memory_space<vmem>> -> memref<4264xf32, #tpu.memory_space<vmem>>
        %dma_start3A_141 = tpu.memref_slice %arg4[%mul3A_2] : memref<136400xf32, #tpu.memory_space<hbm>> -> memref<4264xf32, #tpu.memory_space<hbm>>
        %dma_start3A_142 = tpu.memref_slice %arg4[%mul3A_2] : memref<136400xf32, #tpu.memory_space<hbm>> -> memref<4264xf32, #tpu.memory_space<hbm>>
        %dma_start3A_143 = arith.constant 0 : i32
        %dma_start3A_144 = tpu.memref_slice %arg7[%dma_start3A_143] : memref<4272xf32, #tpu.memory_space<vmem>> -> memref<4264xf32, #tpu.memory_space<vmem>>
        tpu.enqueue_dma source(%dma_start3A_144 : memref<4264xf32, #tpu.memory_space<vmem>>) target(%dma_start3A_142 : memref<4264xf32, #tpu.memory_space<hbm>>) target_semaphore(%run_scoped3A : memref<!tpu.dma_semaphore, #tpu.memory_space<semaphore_mem>>)
        %dma_wait3A = arith.constant 0 : i32
        %dma_wait3A_145 = tpu.memref_slice %arg7[%dma_wait3A] : memref<4272xf32, #tpu.memory_space<vmem>> -> memref<4264xf32, #tpu.memory_space<vmem>>
        %dma_wait3A_146 = tpu.memref_slice %arg4[%mul3A_2] : memref<136400xf32, #tpu.memory_space<hbm>> -> memref<4264xf32, #tpu.memory_space<hbm>>
        %dma_wait3A_147 = tpu.memref_slice %arg4[%mul3A_2] : memref<136400xf32, #tpu.memory_space<hbm>> -> memref<4264xf32, #tpu.memory_space<hbm>>
        %dma_wait3A_148 = arith.constant 0 : i32
        %dma_wait3A_149 = tpu.memref_slice %arg7[%dma_wait3A_148] : memref<4272xf32, #tpu.memory_space<vmem>> -> memref<4264xf32, #tpu.memory_space<vmem>>
        tpu.wait_dma2 semaphore(%run_scoped3A : memref<!tpu.dma_semaphore, #tpu.memory_space<semaphore_mem>>) src(%dma_wait3A_149 : memref<4264xf32, #tpu.memory_space<vmem>>) dst(%dma_wait3A_147 : memref<4264xf32, #tpu.memory_space<hbm>>)
        tpu.yield
      }) : () -> ()
    } else {
    }
    %eq3A_135 = arith.constant 31 : i32
    %eq3A_136 = arith.cmpi eq, %add3A, %eq3A_135 : i32
    %convert_element_type3A_137 = arith.extui %eq3A_136 : i1 to i32
    %cond3A_138 = arith.constant 0 : i32
    %cond3A_139 = arith.cmpi ne, %convert_element_type3A_137, %cond3A_138 : i32
    scf.if %cond3A_139 {
      "tpu.region"() ({
        %run_scoped3A = tpu.sem_alloc : memref<!tpu.dma_semaphore, #tpu.memory_space<semaphore_mem>>
        %dma_start3A = arith.constant 0 : i32
        %dma_start3A_140 = tpu.memref_slice %arg7[%dma_start3A] : memref<4272xf32, #tpu.memory_space<vmem>> -> memref<4216xf32, #tpu.memory_space<vmem>>
        %dma_start3A_141 = tpu.memref_slice %arg4[%mul3A_2] : memref<136400xf32, #tpu.memory_space<hbm>> -> memref<4216xf32, #tpu.memory_space<hbm>>
        %dma_start3A_142 = tpu.memref_slice %arg4[%mul3A_2] : memref<136400xf32, #tpu.memory_space<hbm>> -> memref<4216xf32, #tpu.memory_space<hbm>>
        %dma_start3A_143 = arith.constant 0 : i32
        %dma_start3A_144 = tpu.memref_slice %arg7[%dma_start3A_143] : memref<4272xf32, #tpu.memory_space<vmem>> -> memref<4216xf32, #tpu.memory_space<vmem>>
        tpu.enqueue_dma source(%dma_start3A_144 : memref<4216xf32, #tpu.memory_space<vmem>>) target(%dma_start3A_142 : memref<4216xf32, #tpu.memory_space<hbm>>) target_semaphore(%run_scoped3A : memref<!tpu.dma_semaphore, #tpu.memory_space<semaphore_mem>>)
        %dma_wait3A = arith.constant 0 : i32
        %dma_wait3A_145 = tpu.memref_slice %arg7[%dma_wait3A] : memref<4272xf32, #tpu.memory_space<vmem>> -> memref<4216xf32, #tpu.memory_space<vmem>>
        %dma_wait3A_146 = tpu.memref_slice %arg4[%mul3A_2] : memref<136400xf32, #tpu.memory_space<hbm>> -> memref<4216xf32, #tpu.memory_space<hbm>>
        %dma_wait3A_147 = tpu.memref_slice %arg4[%mul3A_2] : memref<136400xf32, #tpu.memory_space<hbm>> -> memref<4216xf32, #tpu.memory_space<hbm>>
        %dma_wait3A_148 = arith.constant 0 : i32
        %dma_wait3A_149 = tpu.memref_slice %arg7[%dma_wait3A_148] : memref<4272xf32, #tpu.memory_space<vmem>> -> memref<4216xf32, #tpu.memory_space<vmem>>
        tpu.wait_dma2 semaphore(%run_scoped3A : memref<!tpu.dma_semaphore, #tpu.memory_space<semaphore_mem>>) src(%dma_wait3A_149 : memref<4216xf32, #tpu.memory_space<vmem>>) dst(%dma_wait3A_147 : memref<4216xf32, #tpu.memory_space<hbm>>)
        tpu.yield
      }) : () -> ()
    } else {
    }
    return
  }
}

module attributes {stable_mosaic.version = 14 : i64} {
  func.func @_focal_kernel(%arg0: i32, %arg1: memref<1x8576x80xf32, #tpu.memory_space<vmem>>, %arg2: memref<1x8576x82xf32, #tpu.memory_space<vmem>>, %arg3: memref<1x1x8576xf32, #tpu.memory_space<vmem>>, %arg4: memref<1x1x8576xf32, #tpu.memory_space<vmem>>) attributes {dimension_semantics = [#tpu.dimension_semantics<arbitrary>], iteration_bounds = array<i64: 16>, scalar_prefetch = 0 : i64, scratch_operands = 0 : i64, tpu.core_type = #tpu.core_type<tc>, window_params = [{transform_indices = @transform_0, window_bounds = array<i64: 1, 8576, 80>}, {transform_indices = @transform_1, window_bounds = array<i64: 1, 8576, 82>}, {transform_indices = @transform_2, window_bounds = array<i64: 1, 1, 8576>}, {transform_indices = @transform_3, window_bounds = array<i64: 1, 1, 8576>}]} {
    %get3A = arith.constant 0 : index
    %get3A_0 = arith.constant 0 : index
    %get3A_1 = arith.constant 0 : index
    %get3A_2 = vector.load %arg1[%get3A, %get3A_0, %get3A_1] : memref<1x8576x80xf32, #tpu.memory_space<vmem>>, vector<1x8576x80xf32>
    %get3A_3 = vector.shape_cast %get3A_2 : vector<1x8576x80xf32> to vector<8576x80xf32>
    %get3A_4 = arith.constant 0 : index
    %get3A_5 = arith.constant 0 : index
    %get3A_6 = arith.constant 0 : index
    %get3A_7 = vector.load %arg2[%get3A_4, %get3A_5, %get3A_6] : memref<1x8576x82xf32, #tpu.memory_space<vmem>>, vector<1x8576x82xf32>
    %get3A_8 = vector.shape_cast %get3A_7 : vector<1x8576x82xf32> to vector<8576x82xf32>
    %slice3A = vector.extract_strided_slice %get3A_8 {offsets = [0, 0], sizes = [8576, 80], strides = [1, 1]} : vector<8576x82xf32> to vector<8576x80xf32>
    %neg3A = arith.constant 0.000000e+00 : f32
    %neg3A_9 = vector.broadcast %neg3A : f32 to vector<8576x80xf32>
    %neg3A_10 = arith.subf %neg3A_9, %get3A_3 : vector<8576x80xf32>
    %exp3A = math.exp %neg3A_10 : vector<8576x80xf32>
    %add3A = arith.constant 1.000000e+00 : f32
    %add3A_11 = vector.broadcast %add3A : f32 to vector<8576x80xf32>
    %add3A_12 = arith.addf %add3A_11, %exp3A : vector<8576x80xf32>
    %log3A = math.log %add3A_12 : vector<8576x80xf32>
    %add3A_13 = arith.addf %log3A, %get3A_3 : vector<8576x80xf32>
    %mul3A = arith.mulf %slice3A, %get3A_3 : vector<8576x80xf32>
    %sub3A = arith.subf %add3A_13, %mul3A : vector<8576x80xf32>
    %add3A_14 = arith.constant 1.000000e+00 : f32
    %add3A_15 = vector.broadcast %add3A_14 : f32 to vector<8576x80xf32>
    %add3A_16 = arith.addf %add3A_15, %exp3A : vector<8576x80xf32>
    %div3A = arith.constant 1.000000e+00 : f32
    %div3A_17 = vector.broadcast %div3A : f32 to vector<8576x80xf32>
    %div3A_18 = arith.divf %div3A_17, %add3A_16 : vector<8576x80xf32>
    %add3A_19 = arith.addf %div3A_18, %slice3A : vector<8576x80xf32>
    %mul3A_20 = arith.constant 2.000000e+00 : f32
    %mul3A_21 = vector.broadcast %mul3A_20 : f32 to vector<8576x80xf32>
    %mul3A_22 = arith.mulf %mul3A_21, %slice3A : vector<8576x80xf32>
    %mul3A_23 = arith.mulf %mul3A_22, %div3A_18 : vector<8576x80xf32>
    %sub3A_24 = arith.subf %add3A_19, %mul3A_23 : vector<8576x80xf32>
    %mul3A_25 = arith.constant 5.000000e-01 : f32
    %mul3A_26 = vector.broadcast %mul3A_25 : f32 to vector<8576x80xf32>
    %mul3A_27 = arith.mulf %mul3A_26, %slice3A : vector<8576x80xf32>
    %sub3A_28 = arith.constant 7.500000e-01 : f32
    %sub3A_29 = vector.broadcast %sub3A_28 : f32 to vector<8576x80xf32>
    %sub3A_30 = arith.subf %sub3A_29, %mul3A_27 : vector<8576x80xf32>
    %mul3A_31 = arith.mulf %sub3A_24, %sub3A_24 : vector<8576x80xf32>
    %mul3A_32 = arith.mulf %sub3A_30, %mul3A_31 : vector<8576x80xf32>
    %mul3A_33 = arith.mulf %mul3A_32, %sub3A : vector<8576x80xf32>
    %broadcast_in_dim3A = arith.constant 1.000000e+00 : f32
    %broadcast_in_dim3A_34 = vector.broadcast %broadcast_in_dim3A : f32 to vector<1x80xf32>
    %dot_general3A = arith.constant dense<0.000000e+00> : vector<1x8576xf32>
    %dot_general3A_35 = tpu.matmul %broadcast_in_dim3A_34, %mul3A_33, %dot_general3A {dimension_numbers = #tpu.dot_dimension_numbers<[1], [1], [0], [0], [0, 0, 1, 0], [], []>, precision = #tpu.contract_precision<fp32>, transpose_lhs_hint = false} : vector<1x80xf32>, vector<8576x80xf32>, vector<1x8576xf32> -> vector<1x8576xf32>
    %swap3A = arith.constant 0 : index
    %swap3A_36 = arith.constant 0 : index
    %swap3A_37 = arith.constant 0 : index
    %swap3A_38 = vector.load %arg3[%swap3A, %swap3A_36, %swap3A_37] : memref<1x1x8576xf32, #tpu.memory_space<vmem>>, vector<1x1x8576xf32>
    %swap3A_39 = vector.shape_cast %swap3A_38 : vector<1x1x8576xf32> to vector<1x8576xf32>
    %swap3A_40 = vector.shape_cast %dot_general3A_35 : vector<1x8576xf32> to vector<1x1x8576xf32>
    tpu.vector_store %arg3[%swap3A, %swap3A_36, %swap3A_37], %swap3A_40 {strides = array<i32>} : memref<1x1x8576xf32, #tpu.memory_space<vmem>>, vector<1x1x8576xf32>,
    %iota3A = tpu.iota {dimensions = array<i32: 1>} : vector<1x82xi32>
    %eq3A = arith.constant 81 : i32
    %eq3A_41 = vector.broadcast %eq3A : i32 to vector<1x82xi32>
    %eq3A_42 = arith.cmpi eq, %iota3A, %eq3A_41 : vector<1x82xi32>
    %convert_element_type3A = arith.extui %eq3A_42 : vector<1x82xi1> to vector<1x82xi32>
    %convert_element_type3A_43 = arith.sitofp %convert_element_type3A : vector<1x82xi32> to vector<1x82xf32>
    %get3A_44 = arith.constant 0 : index
    %get3A_45 = arith.constant 0 : index
    %get3A_46 = arith.constant 0 : index
    %get3A_47 = vector.load %arg2[%get3A_44, %get3A_45, %get3A_46] : memref<1x8576x82xf32, #tpu.memory_space<vmem>>, vector<1x8576x82xf32>
    %get3A_48 = vector.shape_cast %get3A_47 : vector<1x8576x82xf32> to vector<8576x82xf32>
    %dot_general3A_49 = arith.constant dense<0.000000e+00> : vector<1x8576xf32>
    %dot_general3A_50 = tpu.matmul %convert_element_type3A_43, %get3A_48, %dot_general3A_49 {dimension_numbers = #tpu.dot_dimension_numbers<[1], [1], [0], [0], [0, 0, 1, 0], [], []>, precision = #tpu.contract_precision<fp32>, transpose_lhs_hint = false} : vector<1x82xf32>, vector<8576x82xf32>, vector<1x8576xf32> -> vector<1x8576xf32>
    %swap3A_51 = arith.constant 0 : index
    %swap3A_52 = arith.constant 0 : index
    %swap3A_53 = arith.constant 0 : index
    %swap3A_54 = vector.load %arg4[%swap3A_51, %swap3A_52, %swap3A_53] : memref<1x1x8576xf32, #tpu.memory_space<vmem>>, vector<1x1x8576xf32>
    %swap3A_55 = vector.shape_cast %swap3A_54 : vector<1x1x8576xf32> to vector<1x8576xf32>
    %swap3A_56 = vector.shape_cast %dot_general3A_50 : vector<1x8576xf32> to vector<1x1x8576xf32>
    tpu.vector_store %arg4[%swap3A_51, %swap3A_52, %swap3A_53], %swap3A_56 {strides = array<i32>} : memref<1x1x8576xf32, #tpu.memory_space<vmem>>, vector<1x1x8576xf32>,
    return
  }
  func.func @transform_0(%arg0: i32) -> (i32, i32, i32) {
    %c0_i32 = arith.constant 0 : i32
    %c0_i32_0 = arith.constant 0 : i32
    %c0_i32_1 = arith.constant 0 : i32
    return %arg0, %c0_i32, %c0_i32_0 : i32, i32, i32
  }
  func.func @transform_1(%arg0: i32) -> (i32, i32, i32) {
    %c0_i32 = arith.constant 0 : i32
    %c0_i32_0 = arith.constant 0 : i32
    %c0_i32_1 = arith.constant 0 : i32
    return %arg0, %c0_i32, %c0_i32_0 : i32, i32, i32
  }
  func.func @transform_2(%arg0: i32) -> (i32, i32, i32) {
    %c0_i32 = arith.constant 0 : i32
    %c0_i32_0 = arith.constant 0 : i32
    %c0_i32_1 = arith.constant 0 : i32
    return %arg0, %c0_i32, %c0_i32_0 : i32, i32, i32
  }
  func.func @transform_3(%arg0: i32) -> (i32, i32, i32) {
    %c0_i32 = arith.constant 0 : i32
    %c0_i32_0 = arith.constant 0 : i32
    %c0_i32_1 = arith.constant 0 : i32
    return %arg0, %c0_i32, %c0_i32_0 : i32, i32, i32
  }
}

module attributes {stable_mosaic.version = 14 : i64} {
  func.func @_combine_kernel(%arg0: i32, %arg1: memref<1x1x8576xf32, #tpu.memory_space<vmem>>, %arg2: memref<1x1x8576xf32, #tpu.memory_space<vmem>>, %arg3: memref<1x1x8576xi32, #tpu.memory_space<vmem>>, %arg4: memref<1x1x8576xf32, #tpu.memory_space<vmem>>, %arg5: memref<1x1x1xi32, #tpu.memory_space<smem>>, %arg6: memref<1x1x8576xf32, #tpu.memory_space<vmem>>) attributes {dimension_semantics = [#tpu.dimension_semantics<arbitrary>], iteration_bounds = array<i64: 16>, scalar_prefetch = 0 : i64, scratch_operands = 0 : i64, tpu.core_type = #tpu.core_type<tc>, window_params = [{transform_indices = @transform_0, window_bounds = array<i64: 1, 1, 8576>}, {transform_indices = @transform_1, window_bounds = array<i64: 1, 1, 8576>}, {transform_indices = @transform_2, window_bounds = array<i64: 1, 1, 8576>}, {transform_indices = @transform_3, window_bounds = array<i64: 1, 1, 8576>}, {transform_indices = @transform_4, window_bounds = array<i64: 1, 1, 1>}, {transform_indices = @transform_5, window_bounds = array<i64: 1, 1, 8576>}]} {
    %iota3A = tpu.iota {dimensions = array<i32: 1>} : vector<1x8576xi32>
    %lt3A = arith.constant 8525 : i32
    %lt3A_0 = vector.broadcast %lt3A : i32 to vector<1x8576xi32>
    %lt3A_1 = arith.cmpi slt, %iota3A, %lt3A_0 : vector<1x8576xi32>
    %ge3A = arith.constant 0 : i32
    %ge3A_2 = vector.broadcast %ge3A : i32 to vector<1x8576xi32>
    %ge3A_3 = arith.cmpi sge, %iota3A, %ge3A_2 : vector<1x8576xi32>
    %lt3A_4 = arith.constant 6400 : i32
    %lt3A_5 = vector.broadcast %lt3A_4 : i32 to vector<1x8576xi32>
    %lt3A_6 = arith.cmpi slt, %iota3A, %lt3A_5 : vector<1x8576xi32>
    %and3A = arith.andi %ge3A_3, %lt3A_6 : vector<1x8576xi1>
    %jit3A = arith.constant 1.000000e+00 : f32
    %jit3A_7 = arith.constant 0.000000e+00 : f32
    %broadcast_in_dim3A = vector.broadcast %jit3A : f32 to vector<1x8576xf32>
    %broadcast_in_dim3A_8 = vector.broadcast %jit3A_7 : f32 to vector<1x8576xf32>
    %select_n3A = arith.select %and3A, %broadcast_in_dim3A, %broadcast_in_dim3A_8 : vector<1x8576xi1>, vector<1x8576xf32>
    %ge3A_9 = arith.constant 6400 : i32
    %ge3A_10 = vector.broadcast %ge3A_9 : i32 to vector<1x8576xi32>
    %ge3A_11 = arith.cmpi sge, %iota3A, %ge3A_10 : vector<1x8576xi32>
    %lt3A_12 = arith.constant 8000 : i32
    %lt3A_13 = vector.broadcast %lt3A_12 : i32 to vector<1x8576xi32>
    %lt3A_14 = arith.cmpi slt, %iota3A, %lt3A_13 : vector<1x8576xi32>
    %and3A_15 = arith.andi %ge3A_11, %lt3A_14 : vector<1x8576xi1>
    %jit3A_16 = arith.constant 1.000000e+00 : f32
    %jit3A_17 = arith.constant 0.000000e+00 : f32
    %broadcast_in_dim3A_18 = vector.broadcast %jit3A_16 : f32 to vector<1x8576xf32>
    %broadcast_in_dim3A_19 = vector.broadcast %jit3A_17 : f32 to vector<1x8576xf32>
    %select_n3A_20 = arith.select %and3A_15, %broadcast_in_dim3A_18, %broadcast_in_dim3A_19 : vector<1x8576xi1>, vector<1x8576xf32>
    %ge3A_21 = arith.constant 8000 : i32
    %ge3A_22 = vector.broadcast %ge3A_21 : i32 to vector<1x8576xi32>
    %ge3A_23 = arith.cmpi sge, %iota3A, %ge3A_22 : vector<1x8576xi32>
    %lt3A_24 = arith.constant 8400 : i32
    %lt3A_25 = vector.broadcast %lt3A_24 : i32 to vector<1x8576xi32>
    %lt3A_26 = arith.cmpi slt, %iota3A, %lt3A_25 : vector<1x8576xi32>
    %and3A_27 = arith.andi %ge3A_23, %lt3A_26 : vector<1x8576xi1>
    %jit3A_28 = arith.constant 1.000000e+00 : f32
    %jit3A_29 = arith.constant 0.000000e+00 : f32
    %broadcast_in_dim3A_30 = vector.broadcast %jit3A_28 : f32 to vector<1x8576xf32>
    %broadcast_in_dim3A_31 = vector.broadcast %jit3A_29 : f32 to vector<1x8576xf32>
    %select_n3A_32 = arith.select %and3A_27, %broadcast_in_dim3A_30, %broadcast_in_dim3A_31 : vector<1x8576xi1>, vector<1x8576xf32>
    %ge3A_33 = arith.constant 8400 : i32
    %ge3A_34 = vector.broadcast %ge3A_33 : i32 to vector<1x8576xi32>
    %ge3A_35 = arith.cmpi sge, %iota3A, %ge3A_34 : vector<1x8576xi32>
    %lt3A_36 = arith.constant 8500 : i32
    %lt3A_37 = vector.broadcast %lt3A_36 : i32 to vector<1x8576xi32>
    %lt3A_38 = arith.cmpi slt, %iota3A, %lt3A_37 : vector<1x8576xi32>
    %and3A_39 = arith.andi %ge3A_35, %lt3A_38 : vector<1x8576xi1>
    %jit3A_40 = arith.constant 1.000000e+00 : f32
    %jit3A_41 = arith.constant 0.000000e+00 : f32
    %broadcast_in_dim3A_42 = vector.broadcast %jit3A_40 : f32 to vector<1x8576xf32>
    %broadcast_in_dim3A_43 = vector.broadcast %jit3A_41 : f32 to vector<1x8576xf32>
    %select_n3A_44 = arith.select %and3A_39, %broadcast_in_dim3A_42, %broadcast_in_dim3A_43 : vector<1x8576xi1>, vector<1x8576xf32>
    %ge3A_45 = arith.constant 8500 : i32
    %ge3A_46 = vector.broadcast %ge3A_45 : i32 to vector<1x8576xi32>
    %ge3A_47 = arith.cmpi sge, %iota3A, %ge3A_46 : vector<1x8576xi32>
    %lt3A_48 = arith.constant 8525 : i32
    %lt3A_49 = vector.broadcast %lt3A_48 : i32 to vector<1x8576xi32>
    %lt3A_50 = arith.cmpi slt, %iota3A, %lt3A_49 : vector<1x8576xi32>
    %and3A_51 = arith.andi %ge3A_47, %lt3A_50 : vector<1x8576xi1>
    %jit3A_52 = arith.constant 1.000000e+00 : f32
    %jit3A_53 = arith.constant 0.000000e+00 : f32
    %broadcast_in_dim3A_54 = vector.broadcast %jit3A_52 : f32 to vector<1x8576xf32>
    %broadcast_in_dim3A_55 = vector.broadcast %jit3A_53 : f32 to vector<1x8576xf32>
    %select_n3A_56 = arith.select %and3A_51, %broadcast_in_dim3A_54, %broadcast_in_dim3A_55 : vector<1x8576xi1>, vector<1x8576xf32>
    %get3A = arith.constant 0 : index
    %get3A_57 = arith.constant 0 : index
    %get3A_58 = arith.constant 0 : index
    %get3A_59 = vector.load %arg1[%get3A, %get3A_57, %get3A_58] : memref<1x1x8576xf32, #tpu.memory_space<vmem>>, vector<1x1x8576xf32>
    %get3A_60 = vector.shape_cast %get3A_59 : vector<1x1x8576xf32> to vector<1x8576xf32>
    %get3A_61 = arith.constant 0 : index
    %get3A_62 = arith.constant 0 : index
    %get3A_63 = arith.constant 0 : index
    %get3A_64 = vector.load %arg2[%get3A_61, %get3A_62, %get3A_63] : memref<1x1x8576xf32, #tpu.memory_space<vmem>>, vector<1x1x8576xf32>
    %get3A_65 = vector.shape_cast %get3A_64 : vector<1x1x8576xf32> to vector<1x8576xf32>
    %add3A = arith.addf %get3A_60, %get3A_65 : vector<1x8576xf32>
    %jit3A_66 = arith.constant 0.000000e+00 : f32
    %broadcast_in_dim3A_67 = vector.broadcast %jit3A_66 : f32 to vector<1x8576xf32>
    %select_n3A_68 = arith.select %lt3A_1, %add3A, %broadcast_in_dim3A_67 : vector<1x8576xi1>, vector<1x8576xf32>
    %iota3A_69 = tpu.iota {dimensions = array<i32: 0>} : vector<8x1xi32>
    %get3A_70 = arith.constant 0 : index
    %get3A_71 = arith.constant 0 : index
    %get3A_72 = arith.constant 0 : index
    %get3A_73 = vector.load %arg3[%get3A_70, %get3A_71, %get3A_72] : memref<1x1x8576xi32, #tpu.memory_space<vmem>>, vector<1x1x8576xi32>
    %get3A_74 = vector.shape_cast %get3A_73 : vector<1x1x8576xi32> to vector<1x8576xi32>
    %eq3A = vector.broadcast %get3A_74 : vector<1x8576xi32> to vector<8x8576xi32>
    %eq3A_75 = vector.broadcast %iota3A_69 : vector<8x1xi32> to vector<8x8576xi32>
    %eq3A_76 = arith.cmpi eq, %eq3A, %eq3A_75 : vector<8x8576xi32>
    %convert_element_type3A = arith.extui %eq3A_76 : vector<8x8576xi1> to vector<8x8576xi32>
    %convert_element_type3A_77 = arith.sitofp %convert_element_type3A : vector<8x8576xi32> to vector<8x8576xf32>
    %mul3A = vector.broadcast %select_n3A_68 : vector<1x8576xf32> to vector<8x8576xf32>
    %mul3A_78 = arith.mulf %convert_element_type3A_77, %mul3A : vector<8x8576xf32>
    %mul3A_79 = vector.broadcast %select_n3A : vector<1x8576xf32> to vector<8x8576xf32>
    %mul3A_80 = arith.mulf %mul3A_78, %mul3A_79 : vector<8x8576xf32>
    %reduce_sum3A = arith.constant dense<0.000000e+00> : vector<8xf32>
    %reduce_sum3A_81 = vector.multi_reduction <add>, %mul3A_80, %reduce_sum3A [1] : vector<8x8576xf32> to vector<8xf32>
    %broadcast_in_dim3A_82 = vector.shape_cast %reduce_sum3A_81 : vector<8xf32> to vector<8x1xf32>
    %mul3A_83 = vector.broadcast %select_n3A_20 : vector<1x8576xf32> to vector<8x8576xf32>
    %mul3A_84 = arith.mulf %mul3A_78, %mul3A_83 : vector<8x8576xf32>
    %reduce_sum3A_85 = arith.constant dense<0.000000e+00> : vector<8xf32>
    %reduce_sum3A_86 = vector.multi_reduction <add>, %mul3A_84, %reduce_sum3A_85 [1] : vector<8x8576xf32> to vector<8xf32>
    %broadcast_in_dim3A_87 = vector.shape_cast %reduce_sum3A_86 : vector<8xf32> to vector<8x1xf32>
    %mul3A_88 = vector.broadcast %select_n3A_32 : vector<1x8576xf32> to vector<8x8576xf32>
    %mul3A_89 = arith.mulf %mul3A_78, %mul3A_88 : vector<8x8576xf32>
    %reduce_sum3A_90 = arith.constant dense<0.000000e+00> : vector<8xf32>
    %reduce_sum3A_91 = vector.multi_reduction <add>, %mul3A_89, %reduce_sum3A_90 [1] : vector<8x8576xf32> to vector<8xf32>
    %broadcast_in_dim3A_92 = vector.shape_cast %reduce_sum3A_91 : vector<8xf32> to vector<8x1xf32>
    %mul3A_93 = vector.broadcast %select_n3A_44 : vector<1x8576xf32> to vector<8x8576xf32>
    %mul3A_94 = arith.mulf %mul3A_78, %mul3A_93 : vector<8x8576xf32>
    %reduce_sum3A_95 = arith.constant dense<0.000000e+00> : vector<8xf32>
    %reduce_sum3A_96 = vector.multi_reduction <add>, %mul3A_94, %reduce_sum3A_95 [1] : vector<8x8576xf32> to vector<8xf32>
    %broadcast_in_dim3A_97 = vector.shape_cast %reduce_sum3A_96 : vector<8xf32> to vector<8x1xf32>
    %mul3A_98 = vector.broadcast %select_n3A_56 : vector<1x8576xf32> to vector<8x8576xf32>
    %mul3A_99 = arith.mulf %mul3A_78, %mul3A_98 : vector<8x8576xf32>
    %reduce_sum3A_100 = arith.constant dense<0.000000e+00> : vector<8xf32>
    %reduce_sum3A_101 = vector.multi_reduction <add>, %mul3A_99, %reduce_sum3A_100 [1] : vector<8x8576xf32> to vector<8xf32>
    %broadcast_in_dim3A_102 = vector.shape_cast %reduce_sum3A_101 : vector<8xf32> to vector<8x1xf32>
    %concatenate3A = tpu.concatenate %broadcast_in_dim3A_82, %broadcast_in_dim3A_87, %broadcast_in_dim3A_92, %broadcast_in_dim3A_97, %broadcast_in_dim3A_102 in 1 : vector<8x1xf32>, vector<8x1xf32>, vector<8x1xf32>, vector<8x1xf32>, vector<8x1xf32> -> vector<8x5xf32>
    %mul3A_103 = vector.broadcast %select_n3A : vector<1x8576xf32> to vector<8x8576xf32>
    %mul3A_104 = arith.mulf %convert_element_type3A_77, %mul3A_103 : vector<8x8576xf32>
    %reduce_sum3A_105 = arith.constant dense<0.000000e+00> : vector<8xf32>
    %reduce_sum3A_106 = vector.multi_reduction <add>, %mul3A_104, %reduce_sum3A_105 [1] : vector<8x8576xf32> to vector<8xf32>
    %broadcast_in_dim3A_107 = vector.shape_cast %reduce_sum3A_106 : vector<8xf32> to vector<8x1xf32>
    %mul3A_108 = vector.broadcast %select_n3A_20 : vector<1x8576xf32> to vector<8x8576xf32>
    %mul3A_109 = arith.mulf %convert_element_type3A_77, %mul3A_108 : vector<8x8576xf32>
    %reduce_sum3A_110 = arith.constant dense<0.000000e+00> : vector<8xf32>
    %reduce_sum3A_111 = vector.multi_reduction <add>, %mul3A_109, %reduce_sum3A_110 [1] : vector<8x8576xf32> to vector<8xf32>
    %broadcast_in_dim3A_112 = vector.shape_cast %reduce_sum3A_111 : vector<8xf32> to vector<8x1xf32>
    %mul3A_113 = vector.broadcast %select_n3A_32 : vector<1x8576xf32> to vector<8x8576xf32>
    %mul3A_114 = arith.mulf %convert_element_type3A_77, %mul3A_113 : vector<8x8576xf32>
    %reduce_sum3A_115 = arith.constant dense<0.000000e+00> : vector<8xf32>
    %reduce_sum3A_116 = vector.multi_reduction <add>, %mul3A_114, %reduce_sum3A_115 [1] : vector<8x8576xf32> to vector<8xf32>
    %broadcast_in_dim3A_117 = vector.shape_cast %reduce_sum3A_116 : vector<8xf32> to vector<8x1xf32>
    %mul3A_118 = vector.broadcast %select_n3A_44 : vector<1x8576xf32> to vector<8x8576xf32>
    %mul3A_119 = arith.mulf %convert_element_type3A_77, %mul3A_118 : vector<8x8576xf32>
    %reduce_sum3A_120 = arith.constant dense<0.000000e+00> : vector<8xf32>
    %reduce_sum3A_121 = vector.multi_reduction <add>, %mul3A_119, %reduce_sum3A_120 [1] : vector<8x8576xf32> to vector<8xf32>
    %broadcast_in_dim3A_122 = vector.shape_cast %reduce_sum3A_121 : vector<8xf32> to vector<8x1xf32>
    %mul3A_123 = vector.broadcast %select_n3A_56 : vector<1x8576xf32> to vector<8x8576xf32>
    %mul3A_124 = arith.mulf %convert_element_type3A_77, %mul3A_123 : vector<8x8576xf32>
    %reduce_sum3A_125 = arith.constant dense<0.000000e+00> : vector<8xf32>
    %reduce_sum3A_126 = vector.multi_reduction <add>, %mul3A_124, %reduce_sum3A_125 [1] : vector<8x8576xf32> to vector<8xf32>
    %broadcast_in_dim3A_127 = vector.shape_cast %reduce_sum3A_126 : vector<8xf32> to vector<8x1xf32>
    %concatenate3A_128 = tpu.concatenate %broadcast_in_dim3A_107, %broadcast_in_dim3A_112, %broadcast_in_dim3A_117, %broadcast_in_dim3A_122, %broadcast_in_dim3A_127 in 1 : vector<8x1xf32>, vector<8x1xf32>, vector<8x1xf32>, vector<8x1xf32>, vector<8x1xf32> -> vector<8x5xf32>
    %max3A = arith.constant 1.000000e+00 : f32
    %max3A_129 = vector.broadcast %max3A : f32 to vector<8x5xf32>
    %max3A_130 = arith.maximumf %max3A_129, %concatenate3A_128 : vector<8x5xf32>
    %div3A = arith.divf %concatenate3A, %max3A_130 : vector<8x5xf32>
    %reduce_min3A = arith.constant dense<0x7F800000> : vector<8xf32>
    %reduce_min3A_131 = vector.multi_reduction <minimumf>, %div3A, %reduce_min3A [1] : vector<8x5xf32> to vector<8xf32>
    %broadcast_in_dim3A_132 = vector.shape_cast %reduce_min3A_131 : vector<8xf32> to vector<8x1xf32>
    %reduce_max3A = arith.constant dense<0xFF800000> : vector<8xf32>
    %reduce_max3A_133 = vector.multi_reduction <maximumf>, %div3A, %reduce_max3A [1] : vector<8x5xf32> to vector<8xf32>
    %broadcast_in_dim3A_134 = vector.shape_cast %reduce_max3A_133 : vector<8xf32> to vector<8x1xf32>
    %sub3A = vector.broadcast %broadcast_in_dim3A_132 : vector<8x1xf32> to vector<8x5xf32>
    %sub3A_135 = arith.subf %div3A, %sub3A : vector<8x5xf32>
    %sub3A_136 = arith.subf %broadcast_in_dim3A_134, %broadcast_in_dim3A_132 : vector<8x1xf32>
    %div3A_137 = vector.broadcast %sub3A_136 : vector<8x1xf32> to vector<8x5xf32>
    %div3A_138 = arith.divf %sub3A_135, %div3A_137 : vector<8x5xf32>
    %sub3A_139 = arith.constant 1.000000e+00 : f32
    %sub3A_140 = vector.broadcast %sub3A_139 : f32 to vector<8x5xf32>
    %sub3A_141 = arith.subf %sub3A_140, %div3A_138 : vector<8x5xf32>
    %reduce_min3A_142 = arith.constant dense<0x7F800000> : vector<8xf32>
    %reduce_min3A_143 = vector.multi_reduction <minimumf>, %sub3A_141, %reduce_min3A_142 [1] : vector<8x5xf32> to vector<8xf32>
    %broadcast_in_dim3A_144 = vector.shape_cast %reduce_min3A_143 : vector<8xf32> to vector<8x1xf32>
    %eq3A_145 = vector.broadcast %broadcast_in_dim3A_144 : vector<8x1xf32> to vector<8x5xf32>
    %eq3A_146 = arith.cmpf oeq, %sub3A_141, %eq3A_145 : vector<8x5xf32>
    %convert_element_type3A_147 = arith.extui %eq3A_146 : vector<8x5xi1> to vector<8x5xi32>
    %convert_element_type3A_148 = arith.sitofp %convert_element_type3A_147 : vector<8x5xi32> to vector<8x5xf32>
    %reduce_sum3A_149 = arith.constant dense<0.000000e+00> : vector<8xf32>
    %reduce_sum3A_150 = vector.multi_reduction <add>, %convert_element_type3A_148, %reduce_sum3A_149 [1] : vector<8x5xf32> to vector<8xf32>
    %broadcast_in_dim3A_151 = vector.shape_cast %reduce_sum3A_150 : vector<8xf32> to vector<8x1xf32>
    %jit3A_152 = arith.constant 0x7F800000 : f32
    %broadcast_in_dim3A_153 = vector.broadcast %jit3A_152 : f32 to vector<8x5xf32>
    %select_n3A_154 = arith.select %eq3A_146, %broadcast_in_dim3A_153, %sub3A_141 : vector<8x5xi1>, vector<8x5xf32>
    %reduce_min3A_155 = arith.constant dense<0x7F800000> : vector<8xf32>
    %reduce_min3A_156 = vector.multi_reduction <minimumf>, %select_n3A_154, %reduce_min3A_155 [1] : vector<8x5xf32> to vector<8xf32>
    %broadcast_in_dim3A_157 = vector.shape_cast %reduce_min3A_156 : vector<8xf32> to vector<8x1xf32>
    %ge3A_158 = arith.constant 2.000000e+00 : f32
    %ge3A_159 = vector.broadcast %ge3A_158 : f32 to vector<8x1xf32>
    %ge3A_160 = arith.cmpf oge, %broadcast_in_dim3A_151, %ge3A_159 : vector<8x1xf32>
    %select_n3A_161 = arith.select %ge3A_160, %broadcast_in_dim3A_144, %broadcast_in_dim3A_157 : vector<8x1xi1>, vector<8x1xf32>
    %gt3A = vector.broadcast %select_n3A_161 : vector<8x1xf32> to vector<8x5xf32>
    %gt3A_162 = arith.cmpf ogt, %sub3A_141, %gt3A : vector<8x5xf32>
    %jit3A_163 = arith.constant 0.000000e+00 : f32
    %broadcast_in_dim3A_164 = vector.broadcast %jit3A_163 : f32 to vector<8x5xf32>
    %select_n3A_165 = arith.select %gt3A_162, %sub3A_141, %broadcast_in_dim3A_164 : vector<8x5xi1>, vector<8x5xf32>
    %get3A_166 = arith.constant 0 : index
    %get3A_167 = arith.constant 0 : index
    %get3A_168 = arith.constant 0 : index
    %get3A_169 = memref.load %arg5[%get3A_166, %get3A_167, %get3A_168] : memref<1x1x1xi32, #tpu.memory_space<smem>>
    %iota3A_170 = tpu.iota {dimensions = array<i32: 0>} : vector<8x5xi32>
    %lt3A_171 = vector.broadcast %get3A_169 : i32 to vector<8x5xi32>
    %lt3A_172 = arith.cmpi slt, %iota3A_170, %lt3A_171 : vector<8x5xi32>
    %jit3A_173 = arith.constant 0.000000e+00 : f32
    %broadcast_in_dim3A_174 = vector.broadcast %jit3A_173 : f32 to vector<8x5xf32>
    %select_n3A_175 = arith.select %lt3A_172, %select_n3A_165, %broadcast_in_dim3A_174 : vector<8x5xi1>, vector<8x5xf32>
    %concatenate3A_176 = tpu.concatenate %select_n3A, %select_n3A_20, %select_n3A_32, %select_n3A_44, %select_n3A_56 in 0 : vector<1x8576xf32>, vector<1x8576xf32>, vector<1x8576xf32>, vector<1x8576xf32>, vector<1x8576xf32> -> vector<5x8576xf32>
    %dot_general3A = arith.constant dense<0.000000e+00> : vector<8x8576xf32>
    %dot_general3A_177 = tpu.matmul %select_n3A_175, %concatenate3A_176, %dot_general3A {dimension_numbers = #tpu.dot_dimension_numbers<[1], [0], [0], [1], [0, 0, 1, 1], [], []>, precision = #tpu.contract_precision<fp32>, transpose_lhs_hint = false} : vector<8x5xf32>, vector<5x8576xf32>, vector<8x8576xf32> -> vector<8x8576xf32>
    %mul3A_178 = arith.mulf %convert_element_type3A_77, %dot_general3A_177 : vector<8x8576xf32>
    %reduce_sum3A_179 = arith.constant dense<0.000000e+00> : vector<8576xf32>
    %reduce_sum3A_180 = vector.multi_reduction <add>, %mul3A_178, %reduce_sum3A_179 [0] : vector<8x8576xf32> to vector<8576xf32>
    %broadcast_in_dim3A_181 = vector.shape_cast %reduce_sum3A_180 : vector<8576xf32> to vector<1x8576xf32>
    %get3A_182 = arith.constant 0 : index
    %get3A_183 = arith.constant 0 : index
    %get3A_184 = arith.constant 0 : index
    %get3A_185 = vector.load %arg4[%get3A_182, %get3A_183, %get3A_184] : memref<1x1x8576xf32, #tpu.memory_space<vmem>>, vector<1x1x8576xf32>
    %get3A_186 = vector.shape_cast %get3A_185 : vector<1x1x8576xf32> to vector<1x8576xf32>
    %gt3A_187 = arith.constant 0.000000e+00 : f32
    %gt3A_188 = vector.broadcast %gt3A_187 : f32 to vector<1x8576xf32>
    %gt3A_189 = arith.cmpf ogt, %get3A_186, %gt3A_188 : vector<1x8576xf32>
    %jit3A_190 = arith.constant 1.000000e+00 : f32
    %broadcast_in_dim3A_191 = vector.broadcast %jit3A_190 : f32 to vector<1x8576xf32>
    %select_n3A_192 = arith.select %gt3A_189, %broadcast_in_dim3A_181, %broadcast_in_dim3A_191 : vector<1x8576xi1>, vector<1x8576xf32>
    %swap3A = arith.constant 0 : index
    %swap3A_193 = arith.constant 0 : index
    %swap3A_194 = arith.constant 0 : index
    %swap3A_195 = vector.load %arg6[%swap3A, %swap3A_193, %swap3A_194] : memref<1x1x8576xf32, #tpu.memory_space<vmem>>, vector<1x1x8576xf32>
    %swap3A_196 = vector.shape_cast %swap3A_195 : vector<1x1x8576xf32> to vector<1x8576xf32>
    %swap3A_197 = vector.shape_cast %select_n3A_192 : vector<1x8576xf32> to vector<1x1x8576xf32>
    tpu.vector_store %arg6[%swap3A, %swap3A_193, %swap3A_194], %swap3A_197 {strides = array<i32>} : memref<1x1x8576xf32, #tpu.memory_space<vmem>>, vector<1x1x8576xf32>,
    return
  }
  func.func @transform_0(%arg0: i32) -> (i32, i32, i32) {
    %c0_i32 = arith.constant 0 : i32
    %c0_i32_0 = arith.constant 0 : i32
    %c0_i32_1 = arith.constant 0 : i32
    return %arg0, %c0_i32, %c0_i32_0 : i32, i32, i32
  }
  func.func @transform_1(%arg0: i32) -> (i32, i32, i32) {
    %c0_i32 = arith.constant 0 : i32
    %c0_i32_0 = arith.constant 0 : i32
    %c0_i32_1 = arith.constant 0 : i32
    return %arg0, %c0_i32, %c0_i32_0 : i32, i32, i32
  }
  func.func @transform_2(%arg0: i32) -> (i32, i32, i32) {
    %c0_i32 = arith.constant 0 : i32
    %c0_i32_0 = arith.constant 0 : i32
    %c0_i32_1 = arith.constant 0 : i32
    return %arg0, %c0_i32, %c0_i32_0 : i32, i32, i32
  }
  func.func @transform_3(%arg0: i32) -> (i32, i32, i32) {
    %c0_i32 = arith.constant 0 : i32
    %c0_i32_0 = arith.constant 0 : i32
    %c0_i32_1 = arith.constant 0 : i32
    return %arg0, %c0_i32, %c0_i32_0 : i32, i32, i32
  }
  func.func @transform_4(%arg0: i32) -> (i32, i32, i32) {
    %c0_i32 = arith.constant 0 : i32
    %c0_i32_0 = arith.constant 0 : i32
    %c0_i32_1 = arith.constant 0 : i32
    return %arg0, %c0_i32, %c0_i32_0 : i32, i32, i32
  }
  func.func @transform_5(%arg0: i32) -> (i32, i32, i32) {
    %c0_i32 = arith.constant 0 : i32
    %c0_i32_0 = arith.constant 0 : i32
    %c0_i32_1 = arith.constant 0 : i32
    return %arg0, %c0_i32, %c0_i32_0 : i32, i32, i32
  }
}

</mosaic_0001>

<sc_bundles>
// kernel: kernel.5.cloned.1.call-start
scs
__scs_entry_jumppad:
0x0: {  	(pc) =	sbr.rel $0x88, $3  }
0x1: {  	(tag) =	ssettag $0x0;
	lr =	simm.s32 $0x1  }
0x2: {  	[smem:$0x3F9B] =	sst lr;
	_ =	strace $0xD0000000  }
0x3: {  	_ = 	snop  }
0x4: {  	_ = 	snop  }
0x5: {  	_ = 	snop  }
0x6: {  	_ = 	snop  }
0x7: {  	_ = 	snop  }
__scs_overlays_trampoline_lowered:
0x8: {  	[smem:$0x3FAA] =	sst s0  }
0x9: {  	[smem:$0x3FAB] =	sst s1  }
0xa: {  	[smem:$0x3FAC] =	sst s2  }
0xb: {  	[smem:$0x3FAD] =	sst s3  }
0xc: {  	[smem:$0x3FAE] =	sst s4  }
0xd: {  	[smem:$0x3FAF] =	sst s5  }
0xe: {  	[smem:$0x3FB0] =	sst s6  }
0xf: {  	[smem:$0x3FB1] =	sst s7  }
0x10: {  	[smem:$0x3FB2] =	sst s8  }
0x11: {  	[smem:$0x3FB3] =	sst s9;
	s0 =	simm.s32 @!p0 $0x0  }
0x12: {  	s1 =	sld [smem:$0x3F99];
	s0 =	simm.s32 @p0 $0x1  }
0x13: {  	[smem:$0x3FB4] =	sst s0;
	s0 =	simm.s32 @!p1 $0x0  }
0x14: {  	s2 =	sld [smem:$0x3F98];
	s0 =	simm.s32 @p1 $0x1  }
0x15: {  	[smem:$0x3FB5] =	sst s0;
	s0 =	simm.s32 @!p2 $0x0  }
0x16: {  	s3 =	sld [smem:$0x3FDB];
	s0 =	simm.s32 @p2 $0x1  }
0x17: {  	s4 =	simm.s32 $0x1BF5;
	[smem:$0x3FB7] =	sst s0  }
0x18: {  	s0 =	sld [smem:$0x3F9A];
	_ =	swait.ge [sflag:s4], $0x0  }
0x19: {  	s7 =	sld [smem:$0x3F9B]  }
0x1a: {  	s8 =	sadd.s32 $0xFFFFE003, lr  }
0x1b: {  	s9 =	sadd.s32 $0xFFFFFEF7, lr;
	s5 =	simm.s32 $0xFFFFFFFF;
	p2 =	slt.u32 s8, $0xFFFFF086  }
0x1c: {  	p1 =	slt.u32 s9, $0xF7A;
	s5 =	simm.s32 @!p2 $0x0  }
0x1d: {  	s5 =	simm.s32 @p1 $0x1;
	p0 =	seq.s32 s7, s2  }
0x1e: {  	s7 =	smul.u32 @!p0 $0xF7A, s2;
	p2 =	seq.s32 @!p0 s5, $0x0  }
0x1f: {  	s9 =	smul.u32 $0xF7A, s1;
	s8 =	simm.s32 @!p0 $0x1BF5;
	p2 =	por !p2, p0  }
0x20: {  	[sflag:s8] =	ssyncset.s32 @!p0 $0xFFFFF086;
	s6 =	sadd.s32 @!p0 s3, s7;
	s7 =	simm.s32 @!p0 $0x108  }
0x21: {  	s3 =	sadd.s32 s3, s9;
	s6 =	sadd.s32 @!p0 $0x88, s6;
	s7 =	simm.s32 @p2 $0x1082  }
0x22: {  	[simem:s7], [sflag:s8] =	dma.local @!p0 [hbm:s6], $0xF7A  }
0x23: {  	s9 =	sor.u32 $0xD0000000, s2;
	s6 =	simm.s32 $0x108;
	_ =	swait.ge @!p0 [sflag:s8], $0x0  }
0x24: {  	s3 =	sadd.s32 $0x88, s3;
	s6 =	simm.s32 @!p1 $0x1082;
	[sflag:s4] =	ssyncset.s32 $0xFFFFF086  }
0x25: {  	[simem:s6], [sflag:s4] =	dma.local [hbm:s3], $0xF7A  }
0x26: {  	[smem:$0x3F9B] =	sst s1;
	(tag) =	ssettag s2;
	_ =	strace s9  }
0x27: {  	s1 =	sld [smem:$0x3FAB]  }
0x28: {  	s2 =	sld [smem:$0x3FAC]  }
0x29: {  	s4 =	sld [smem:$0x3FAE]  }
0x2a: {  	p0 =	seq.s32 s5, $0x0;
	s5 =	sld [smem:$0x3FAF]  }
0x2b: {  	s6 =	sld [smem:$0x3FB0]  }
0x2c: {  	s7 =	sld [smem:$0x3FB1]  }
0x2d: {  	s3 =	simm.s32 $0x108;
	s8 =	sld [smem:$0x3FB2]  }
0x2e: {  	s3 =	simm.s32 @!p0 $0x1082;
	s9 =	sld [smem:$0x3FB3]  }
0x2f: {  	lr =	sadd.s32 s0, s3;
	s0 =	sld [smem:$0x3FAA]  }
0x30: {  	s3 =	sld [smem:$0x3FAD]  }
0x31: {  	[smem:$0x3FB6] =	sst s10  }
0x32: {  	s10 =	sld [smem:$0x3FB4];
	_ =	sdelay $0x3  }
0x33: {  	p0 =	seq.s32 s10, $0x1;
	s10 =	sld [smem:$0x3FB6];
	_ =	sdelay $0x3  }
0x34: {  	[smem:$0x3FB6] =	sst s10  }
0x35: {  	s10 =	sld [smem:$0x3FB5];
	_ =	sdelay $0x3  }
0x36: {  	p1 =	seq.s32 s10, $0x1;
	s10 =	sld [smem:$0x3FB6];
	_ =	sdelay $0x3  }
0x37: {  	[smem:$0x3FB6] =	sst s10  }
0x38: {  	s10 =	sld [smem:$0x3FB7]  }
0x39: {  	_ = 	snop;
	(pc) =	sbr.ind lr, $3  }
0x3a: {  	_ = 	snop  }
0x3b: {  	_ = 	snop  }
0x3c: {  	p2 =	seq.s32 s10, $0x1;
	s10 =	sld [smem:$0x3FB6]  }
0x3d: {  	_ =	shalt  }
0x3e: {  	_ =	shalt  }
0x3f: {  	_ =	shalt  }
0x40: {  	_ =	shalt  }
0x41: {  	_ =	shalt  }
0x42: {  	_ =	shalt  }
0x43: {  	_ =	shalt  }
0x44: {  	_ =	shalt  }
0x45: {  	_ =	shalt  }
0x46: {  	_ =	shalt  }
0x47: {  	_ =	shalt  }
0x48: {  	_ =	shalt  }
0x49: {  	_ =	shalt  }
0x4a: {  	_ =	shalt  }
0x4b: {  	_ =	shalt  }
0x4c: {  	_ =	shalt  }
0x4d: {  	_ =	shalt  }
0x4e: {  	_ =	shalt  }
0x4f: {  	_ =	shalt  }
0x50: {  	_ =	shalt  }
0x51: {  	_ =	shalt  }
0x52: {  	_ =	shalt  }
0x53: {  	_ =	shalt  }
0x54: {  	_ =	shalt  }
0x55: {  	_ =	shalt  }
0x56: {  	_ =	shalt  }
0x57: {  	_ =	shalt  }
0x58: {  	_ =	shalt  }
0x59: {  	_ =	shalt  }
0x5a: {  	_ =	shalt  }
0x5b: {  	_ =	shalt  }
0x5c: {  	_ =	shalt  }
0x5d: {  	_ =	shalt  }
0x5e: {  	_ =	shalt  }
0x5f: {  	_ =	shalt  }
0x60: {  	_ =	shalt  }
0x61: {  	_ =	shalt  }
0x62: {  	_ =	shalt  }
0x63: {  	_ =	shalt  }
0x64: {  	_ =	shalt  }
0x65: {  	_ =	shalt  }
0x66: {  	_ =	shalt  }
0x67: {  	_ =	shalt  }
0x68: {  	_ =	shalt  }
0x69: {  	_ =	shalt  }
0x6a: {  	_ =	shalt  }
0x6b: {  	_ =	shalt  }
0x6c: {  	_ =	shalt  }
0x6d: {  	_ =	shalt  }
0x6e: {  	_ =	shalt  }
0x6f: {  	_ =	shalt  }
0x70: {  	_ =	shalt  }
0x71: {  	_ =	shalt  }
0x72: {  	_ =	shalt  }
0x73: {  	_ =	shalt  }
0x74: {  	_ =	shalt  }
0x75: {  	_ =	shalt  }
0x76: {  	_ =	shalt  }
0x77: {  	_ =	shalt  }
0x78: {  	_ =	shalt  }
0x79: {  	_ =	shalt  }
0x7a: {  	_ =	shalt  }
0x7b: {  	_ =	shalt  }
0x7c: {  	_ =	shalt  }
0x7d: {  	_ =	shalt  }
0x7e: {  	_ =	shalt  }
0x7f: {  	_ =	shalt  }
0x80: {  	_ =	shalt  }
0x81: {  	_ =	shalt  }
0x82: {  	_ =	shalt  }
0x83: {  	_ =	shalt  }
0x84: {  	_ =	shalt  }
0x85: {  	_ =	shalt  }
0x86: {  	_ =	shalt  }
0x87: {  	_ =	shalt  }
.Lfunc_end0:
.L_simem_size_0:
called_computation_lowered:
.L_overlay_start_0:
0x88: {  	s2 =	sld [smem:$0x3FD9]  }
0x89: {  	s3 =	sld [smem:$0x3FFE];
	_ =	sdelay $0x1  }
0x8a: {  	s1 =	srdreg.scid  }
0x8b: {  	s0 =	sand.u32 $0x1, s1  }
0x8c: {  	s17 =	sshll.u32 s0, $0xA;
	s2 =	sadd.s32 s3, s2  }
0x8d: {  	s2 =	sadd.s32 s2, s17  }
0x8e: {  	[smem:$0x3FC2] =	sst s2  }
0x8f: {  	_ = 	snop  }
0x90: {  	s2 =	sld [smem:$0x3FD0];
	(tm) =	ssettm $0x1  }
0x91: {  	s18 =	sld [smem:$0x3FFB];
	_ =	sdelay $0x3  }
0x92: {  	_ =	strace s18  }
0x93: {  	s3 =	sld [smem:$0x3FFC];
	_ =	sdelay $0x3  }
0x94: {  	_ =	strace s3  }
0x95: {  	s3 =	sld [smem:$0x3FFD];
	_ =	sdelay $0x3  }
0x96: {  	_ =	strace s3  }
0x97: {  	_ =	strace $0x8FFFFFFF  }
0x98: {  	s19 =	sld [smem:$0x3FDB];
	_ =	sdelay $0x1  }
0x99: {  	s4 =	simm.s32 $_scs_section_size  }
0x9a: {  	s5 =	simm.s32 $_size__tile_overlayer_lowered;
	s6 =	simm.s32 $_tile_overlayer_lowered  }
0x9b: {  	s22 =	simm.s32 $0x1BFF;
	s21 =	sshll.u32 s6, $0x1;
	s3 =	sadd.s32 s4, s19  }
0x9c: {  	s7 =	simm.s32 $0x0;
	s20 =	sshll.u32 s5, $0x1;
	s5 =	sadd.s32 s21, s3  }
0x9d: {  	[timem:s7], [sflag:s22] =	dma.local [hbm:s5], s20  }
0x9e: {  	_ =	swait.ge [sflag:s22], s20  }
0x9f: {  	s4 =	ssub.s32 $0x0, s20;
	[sflag:s22] =	ssyncset.done $0x0  }
0xa0: {  	[sflag:s22] =	ssyncadd.s32 s4;
	_ =	sdelay $0x1  }
0xa1: {  	s23 =	simm.s32 $0x1B8B  }
0xa2: {  	_ =	swait.ge [sflag:s23], $0x1  }
0xa3: {  	[sflag:s23] =	ssyncset.done $0x0  }
0xa4: {  	s25 =	simm.s32 $0x1B8E;
	s24 =	sld [smem:$0x3FFE];
	[sflag:s23] =	ssyncadd.s32 $0xFFFFFFFF  }
0xa5: {  	s26 =	simm.s32 $execute0_lowered;
	[smem:$0x3FD2] =	sst s25  }
0xa6: {  	s5 =	sshll.u32 s26, $0x1;
	_ =	strace $0x80000046;
	[dreg:$0x1] =	wrdreg $0xFFFFFFFF  }
0xa7: {  	s28 =	simm.s32 $_size_execute0_lowered;
	s3 =	sadd.s32 s3, s5;
	[dreg:$0x0] =	wrdreg $0x0  }
0xa8: {  	s5 =	sshll.u32 s28, $0x1;
	[dreg:$0x2] =	wrdreg s3  }
0xa9: {  	[dreg:$0x3] =	wrdreg s5  }
0xaa: {  	[dreg:$0x4] =	wrdreg $0xC0  }
0xab: {  	_ =	task [dreg:s7], $0x5FFFF  }
0xac: {  	[dreg:$0x1] =	wrdreg $0xFFFFFFFF  }
0xad: {  	[dreg:$0x0] =	wrdreg $0x60  }
0xae: {  	[dreg:$0x2] =	wrdreg s24  }
0xaf: {  	[dreg:$0x3] =	wrdreg s2  }
0xb0: {  	[dreg:$0x4] =	wrdreg $0x9  }
0xb1: {  	_ =	task.clear_ibuf [dreg:s7], $0x5FFFF;
	_ =	strace $0x90000046  }
0xb2: {  	s29 =	simm.s32 $0x9;
	_ =	strace $0x80000048  }
0xb3: {  	_ =	swait.ge [sflag:s29], $0x1  }
0xb4: {  	[sflag:s29] =	ssyncadd.s32 $0xFFFFFFFF  }
0xb5: {  	_ =	strace $0x90000048  }
0xb6: {  	_ =	sfence  }
0xb7: {  	s30 =	sld [smem:$0x0];
	_ =	sdelay $0x2  }
0xb8: {  	s31 =	sshll.u32 s1, $0xD;
	s1 =	sshrl.u32 s1, $0x2  }
0xb9: {  	s3 =	sand.u32 $0x4000, s31;
	s1 =	sadd.s32 s1, s30  }
0xba: {  	s0 =	sor.u32 s3, s0;
	s1 =	sshll.u32 s1, $0x11  }
0xbb: {  	s0 =	sor.u32 s1, s0  }
0xbc: {  	s0 =	sadd.s32 $0x8F2B, s0  }
0xbd: {  	[sflag:s0] =	ssyncadd.remote.s32 $0x1  }
0xbe: {  	_ =	sfence.sel $0xFFFF  }
0xbf: {  	[dreg:$0x0] =	wrdreg $0xFFFFFFFF;
	(pc) =	sbr.abs _section_cstart, $3  }
0xc0: {  	[dreg:$0x1] =	wrdreg $0xFFFFFFFF  }
0xc1: {  	_ =	task.clear_ibuf [dreg:s7], $0x2FFFF;
	_ =	strace $0x9FFFFFFF  }
0xc2: {  	(tm) =	ssettm $0x7FFFFFFF  }
0xc3: {  	_ =	shalt  }
tec
execute0_lowered:
.L_overlay_start_1:
0x0: {  	(tag) =	ssettag $0x1  }
0x1: {  	s6 =	rddreg [dreg:$0x0];
	s1 =	srdreg.scid  }
0x2: {  	s0 =	stileid.u32;
	s8 =	rddreg [dreg:$0x1];
	s2 =	simm.s32 $0x0  }
0x3: {  	s3 =	sand.u32 $0x1, s1;
	s4 =	sshll.u32 s0, $0x1;
	s1 =	rddreg [dreg:$0x2]  }
0x4: {  	[smem:$0x7FF] =	sst s2;
	s10 =	sor.u32 s3, s4  }
0x5: {  	v0 =	vlaneseq.u32;
	_ =	strace $0x80000047;
	s3 =	ssub.s32 $0x2, s3;
	s4 =	smul.u32 $0x854, s10  }
0x6: {  	v0 =	vand.u32 $0x3, v0;
	s5 =	sshrl.u32 s3, $0x1;
	s7 =	smul.u32 $0x215, s10;
	p0 =	seq.s32 s10, $0x1F  }
0x7: {  	v0 =	vmul.u32 $0x4, v0;
	s9 =	ssub.s32 s3, s5;
	s5 =	sadd.s32 $0x225E2C, s6;
	s4 =	sadd.s32 s4, s6  }
0x8: {  	vm0 =	vcmask $0x2F20;
	vm1 =	vcmask $0x1F10;
	vm2 =	vmmov $0xf;
	s6 =	sadd.s32 $0x236A2C, s6;
	s7 =	sadd.s32 s8, s7;
	s8 =	sadd.s32 $0x408B, s8  }
0x9: {  	v1 =	vor.u32 $0x1, v0;
	v2 =	vor.u32 $0x2, v0;
	v3 =	vor.u32 $0x3, v0;
	s9 =	smax.u32 s9, $0x1;
	s3 =	sadd.s32 $0x215C00, s4;
	s4 =	sadd.s32 $0x226800, s4  }
.LBB2_1:
0xa: {  	s10 =	simm.s32 @p0 $0x0;
	s11 =	simm.s32 @p0 $0x1  }
0xb: {  	[tilespmem:s10], [sflag:$0x1] =	stream.linear.gather @p0 [hbm4b:s5+s10], $0x41E0, $0x38;
	[tilespmem:$0x9700] =	vst v63  }
0xc: {  	_ =	swait.ge @p0 [sflag:s11], $0x41E0  }
0xd: {  	[sflag:s11] =	ssyncset.done @p0 $0x0  }
0xe: {  	s12 =	simm.s32 @p0 $0x4300;
	[sflag:s11] =	ssyncadd.s32 @p0 $0xFFFFBE20  }
0xf: {  	[tilespmem:s12], [sflag:$0x1] =	stream.linear.gather @p0 [hbm4b:s6+s10], $0x41E0, $0x38;
	[tilespmem:$0x9700] =	vst v63  }
0x10: {  	_ =	swait.ge @p0 [sflag:s11], $0x41E0  }
0x11: {  	[sflag:s11] =	ssyncset.done @p0 $0x0  }
0x12: {  	s10 =	simm.s32 @!p0 $0x0;
	[sflag:s11] =	ssyncadd.s32 @p0 $0xFFFFBE20;
	s11 =	simm.s32 @!p0 $0x1  }
0x13: {  	[tilespmem:s10], [sflag:$0x1] =	stream.linear.gather @!p0 [hbm4b:s3+s10], $0x42A0, $0x38;
	[tilespmem:$0x9700] =	vst v63  }
0x14: {  	_ =	swait.ge @!p0 [sflag:s11], $0x42A0  }
0x15: {  	[sflag:s11] =	ssyncset.done @!p0 $0x0  }
0x16: {  	s12 =	simm.s32 @!p0 $0x4300;
	[sflag:s11] =	ssyncadd.s32 @!p0 $0xFFFFBD60  }
0x17: {  	[tilespmem:s12], [sflag:$0x1] =	stream.linear.gather @!p0 [hbm4b:s4+s10], $0x42A0, $0x38;
	[tilespmem:$0x9700] =	vst v63  }
0x18: {  	_ =	swait.ge @!p0 [sflag:s11], $0x42A0  }
0x19: {  	[sflag:s11] =	ssyncset.done @!p0 $0x0  }
0x1a: {  	s31 =	simm.s32 $0x0;
	[sflag:s11] =	ssyncadd.s32 @!p0 $0xFFFFBD60  }
0x1b: {  	v4 =	vld [tilespmem:s31+$0x4330]  }
0x1c: {  	v5 =	vld [tilespmem:s31+$0x4310]  }
0x1d: {  	v6 =	vld [tilespmem:s31+$0x4320];
	_ =	sdelay $0x1  }
0x1e: {  	v7 =	vld [tilespmem:s31+$0x4300]  }
0x1f: {  	v8 =	vperm.xlane v4, v0;
	v9 =	vperm.xlane v4, v2  }
0x20: {  	v10 =	vperm.xlane v5, v1;
	v11 =	vperm.xlane v4, v1  }
0x21: {  	v13 =	vld [tilespmem:s31+$0x30];
	v12 =	vperm.xlane v6, v3;
	v4 =	vperm.xlane v4, v3  }
0x22: {  	v14 =	vld [tilespmem:s31+$0x20];
	v15 =	vperm.xlane v5, v0;
	v16 =	vperm.xlane v6, v2  }
0x23: {  	v17 =	vperm.xlane v5, v2;
	v18 =	vperm.xlane v7, v3  }
0x24: {  	v19 =	vperm.xlane v7, v0;
	v20 =	vperm.xlane v6, v0  }
0x25: {  	v56 =	vperm.xlane v7, v2;
	v5 =	vperm.xlane v5, v3  }
0x26: {  	v7 =	vperm.xlane v7, v1;
	v57 =	vperm.xlane v13, v1  }
0x27: {  	v58 =	vperm.xlane v14, v1;
	v59 =	vperm.xlane v13, v2  }
0x28: {  	v22 =	vperm.xlane v14, v3;
	v24 =	vperm.xlane v13, v0  }
0x29: {  	v13 =	vperm.xlane v13, v3;
	v6 =	vperm.xlane v6, v1;
	v4 =	vsel vm0, v12, v4;
	v12 =	vld [tilespmem:s31+$0x10]  }
0x2a: {  	v9 =	vsel vm0, v16, v9;
	v8 =	vsel vm0, v20, v8;
	v16 =	vsel vm0, v58, v57  }
0x2b: {  	v13 =	vsel vm0, v22, v13;
	v9 =	vsel vm1, v17, v9;
	v4 =	vsel vm1, v5, v4;
	v5 =	vld [tilespmem:s31+$0x0]  }
0x2c: {  	v6 =	vsel vm0, v6, v11;
	v8 =	vsel vm1, v15, v8;
	v9 =	vsel vm2, v56, v9  }
0x2d: {  	v18 =	vsel vm2, v18, v4;
	v4 =	vperm.xlane v14, v0;
	v14 =	vperm.xlane v14, v2  }
0x2e: {  	v8 =	vsel vm2, v19, v8;
	v21 =	vperm.xlane v12, v0;
	v23 =	vperm.xlane v12, v1  }
0x2f: {  	v4 =	vsel vm0, v4, v24;
	v60 =	vperm.xlane v12, v3;
	v12 =	vperm.xlane v12, v2  }
0x30: {  	v14 =	vsel vm0, v14, v59;
	v61 =	vperm.xlane v5, v1;
	v62 =	vperm.xlane v5, v3  }
0x31: {  	v63 =	vperm.xlane v5, v0;
	v5 =	vperm.xlane v5, v2;
	v16 =	vsel vm1, v23, v16  }
0x32: {  	v4 =	vsel vm1, v21, v4;
	v11 =	vsel vm1, v12, v14;
	v12 =	vsel vm1, v60, v13  }
0x33: {  	v13 =	vsel vm2, v63, v4;
	v12 =	vsel vm2, v62, v12;
	v4 =	vsel vm1, v10, v6  }
0x34: {  	v6 =	vsel vm2, v61, v16;
	v14 =	vsel vm2, v5, v11;
	v5 =	vmax.f32 v8, v9  }
0x35: {  	v10 =	vsel vm2, v7, v4;
	v4 =	vmin.f32 v6, v12;
	v7 =	vmin.f32 v8, v9  }
0x36: {  	v11 =	vmax.f32 v6, v12;
	v9 =	vmin.f32 v13, v14;
	v6 =	vmax.f32 v13, v14  }
0x37: {  	s12 =	simm.s32 $0x100;
	s10 =	simm.s32 $0x8600;
	s11 =	simm.s32 $0x8600;
	v12 =	vmax.f32 v10, v18;
	v8 =	vmin.f32 v10, v18;
	v10 =	vsub.f32 v11, v4  }
.LBB2_2:
0x38: {  	p1 =	sne.s32 s12, $0x10A00  }
0x39: {  	v13 =	vmax.f32 v7, v9;
	v14 =	vsub.f32 v12, v8;
	v15 =	vmax.f32 v12, v11;
	s11 =	sadd.s32 $0x10, s11;
	s13 =	smov.u32 s12;
	s12 =	sadd.s32 $0x100, s12  }
0x3a: {  	v11 =	vmin.f32 v12, v11;
	v12 =	vmax.f32 v8, v4;
	v16 =	vmin.f32 v7, v9  }
0x3b: {  	v17 =	vmin.f32 v5, v6;
	v7 =	vsub.f32 v5, v7;
	v9 =	vsub.f32 v6, v9  }
0x3c: {  	v4 =	vmin.f32 v8, v4;
	v13 =	vsub.f32 v17, v13;
	v11 =	vsub.f32 v11, v12  }
0x3d: {  	v7 =	vmul.f32 v14, v7;
	v8 =	vmul.f32 v10, v9  }
0x3e: {  	v5 =	vmax.f32 v5, v6;
	v9 =	vmax.f32 v13, $0.0e+00;
	v10 =	vmax.f32 v11, $0.0e+00  }
0x3f: {  	v4 =	vsub.f32 v15, v4;
	v6 =	vmul.f32 v10, v9;
	v7 =	vadd.f32 v8, v7  }
0x40: {  	v5 =	vsub.f32 v5, v16  }
0x41: {  	v7 =	vsub.f32 v7, v6  }
0x42: {  	v4 =	vmul.f32 v4, v5  }
0x43: {  	v5 =	vadd.f32 $1.000000010e-07, v7  }
0x44: {  	v7 =	vsub.f32 v4, v7;
	v4 =	vadd.f32 $1.000000010e-07, v4  }
0x45: {  	(erf) = vrcp.f32 v5  }
0x46: {  	(erf) = vrcp.f32 v4;
	_ =	sdelay $0x6  }
0x47: {  	s13 =	sshra.s32 s13, $0x2  }
0x48: {  	v4 =	vpop (erf)  }
0x49: {  	v4 =	vmul.f32 v4, v6;
	v5 =	vpop (erf)  }
0x4a: {  	v5 =	vmul.f32 v7, v5;
	_ =	sdelay $0x1  }
0x4b: {  	v4 =	vsub.f32 v5, v4;
	_ =	sdelay $0x1  }
0x4c: {  	v4 =	vadd.f32 $1.000000000e+00, v4;
	_ =	sdelay $0x1  }
0x4d: {  	[tilespmem:s10+$0x0] =	vst v4;
	s10 =	smov.u32 s11  }
0x4e: {  	v4 =	vld [tilespmem:s13+$0x4330]  }
0x4f: {  	v5 =	vld [tilespmem:s13+$0x4310]  }
0x50: {  	v6 =	vld [tilespmem:s13+$0x4320]  }
0x51: {  	v7 =	vld [tilespmem:s13+$0x4300];
	_ =	sdelay $0x1  }
0x52: {  	v8 =	vperm.xlane v4, v0;
	v9 =	vperm.xlane v4, v2  }
0x53: {  	v11 =	vperm.xlane v4, v1;
	v10 =	vperm.xlane v5, v1;
	v12 =	vld [tilespmem:s13+$0x20]  }
0x54: {  	v4 =	vperm.xlane v4, v3;
	v13 =	vperm.xlane v6, v3;
	v14 =	vld [tilespmem:s13+$0x30]  }
0x55: {  	v15 =	vperm.xlane v5, v0;
	v16 =	vperm.xlane v6, v2  }
0x56: {  	v17 =	vperm.xlane v5, v2;
	v18 =	vperm.xlane v7, v3;
	v4 =	vsel vm0, v13, v4;
	v13 =	vld [tilespmem:s13+$0x10]  }
0x57: {  	v20 =	vperm.xlane v6, v0;
	v19 =	vperm.xlane v7, v0;
	v9 =	vsel vm0, v16, v9  }
0x58: {  	v5 =	vperm.xlane v5, v3;
	v16 =	vperm.xlane v7, v2;
	v9 =	vsel vm1, v17, v9  }
0x59: {  	v8 =	vsel vm0, v20, v8;
	v7 =	vperm.xlane v7, v1;
	v17 =	vperm.xlane v14, v1  }
0x5a: {  	v9 =	vsel vm2, v16, v9;
	v16 =	vperm.xlane v12, v1;
	v20 =	vperm.xlane v14, v2  }
0x5b: {  	v4 =	vsel vm1, v5, v4;
	v22 =	vperm.xlane v12, v3;
	v5 =	vld [tilespmem:s13+$0x0];
	v21 =	vperm.xlane v13, v0  }
0x5c: {  	v23 =	vperm.xlane v13, v1;
	v16 =	vsel vm0, v16, v17;
	v17 =	vperm.xlane v13, v3  }
0x5d: {  	v18 =	vsel vm2, v18, v4;
	v4 =	vperm.xlane v12, v0;
	v24 =	vperm.xlane v14, v0  }
0x5e: {  	v14 =	vperm.xlane v14, v3;
	v13 =	vperm.xlane v13, v2;
	v16 =	vsel vm1, v23, v16  }
0x5f: {  	v6 =	vperm.xlane v6, v1;
	v12 =	vperm.xlane v12, v2;
	v4 =	vsel vm0, v4, v24  }
0x60: {  	v14 =	vsel vm0, v22, v14;
	v23 =	vperm.xlane v5, v1;
	v24 =	vperm.xlane v5, v3  }
0x61: {  	v12 =	vsel vm0, v12, v20;
	v4 =	vsel vm1, v21, v4;
	v22 =	vperm.xlane v5, v0  }
0x62: {  	v6 =	vsel vm0, v6, v11;
	v11 =	vsel vm1, v13, v12;
	v12 =	vsel vm1, v17, v14  }
0x63: {  	v8 =	vsel vm1, v15, v8;
	v13 =	vsel vm2, v22, v4;
	v12 =	vsel vm2, v24, v12  }
.Ltmp0:
0x64: {  	v5 =	vperm.xlane v5, v2;
	v4 =	vsel vm1, v10, v6;
	v6 =	vsel vm2, v23, v16;
	(pc) =	sbr.rel @p1 .LBB2_2-.Ltmp0, $4  }
0x65: {  	v8 =	vsel vm2, v19, v8;
	v10 =	vsel vm2, v7, v4;
	v4 =	vmin.f32 v6, v12  }
0x66: {  	v14 =	vsel vm2, v5, v11;
	v7 =	vmin.f32 v8, v9;
	v11 =	vmax.f32 v6, v12  }
0x67: {  	v5 =	vmax.f32 v8, v9;
	v9 =	vmin.f32 v13, v14;
	v12 =	vmax.f32 v10, v18  }
0x68: {  	v6 =	vmax.f32 v13, v14;
	v8 =	vmin.f32 v10, v18;
	v10 =	vsub.f32 v11, v4  }
0x69: {  	v13 =	vmax.f32 v7, v9  }
0x6a: {  	v14 =	vsub.f32 v12, v8;
	v15 =	vmin.f32 v12, v11;
	v16 =	vmax.f32 v8, v4  }
0x6b: {  	v17 =	vmin.f32 v5, v6;
	v18 =	vsub.f32 v5, v7;
	v19 =	vsub.f32 v6, v9  }
0x6c: {  	v52 =	vmax.f32 v12, v11;
	v53 =	vsub.f32 v17, v13;
	v54 =	vsub.f32 v15, v16  }
0x6d: {  	v55 =	vmin.f32 v7, v9;
	v56 =	vmul.f32 v14, v18;
	v10 =	vmul.f32 v10, v19  }
0x6e: {  	v4 =	vmin.f32 v8, v4;
	v57 =	vmax.f32 v53, $0.0e+00;
	v58 =	vmax.f32 v54, $0.0e+00  }
0x6f: {  	v5 =	vmax.f32 v5, v6;
	v59 =	vmul.f32 v58, v57;
	v60 =	vadd.f32 v10, v56  }
0x70: {  	v4 =	vsub.f32 v52, v4;
	v5 =	vsub.f32 v5, v55  }
0x71: {  	v61 =	vsub.f32 v60, v59  }
0x72: {  	v4 =	vmul.f32 v4, v5  }
0x73: {  	v5 =	vadd.f32 $1.000000010e-07, v61  }
0x74: {  	v62 =	vadd.f32 $1.000000010e-07, v4  }
0x75: {  	(erf) = vrcp.f32 v5  }
0x76: {  	(erf) = vrcp.f32 v62;
	_ =	sdelay $0x7  }
0x77: {  	v4 =	vsub.f32 v4, v61;
	v5 =	vpop (erf)  }
0x78: {  	v63 =	vpop (erf)  }
0x79: {  	v5 =	vmul.f32 v5, v59;
	v4 =	vmul.f32 v4, v63;
	_ =	sdelay $0x1  }
0x7a: {  	v4 =	vsub.f32 v4, v5;
	_ =	sdelay $0x1  }
0x7b: {  	v4 =	vadd.f32 $1.000000000e+00, v4;
	_ =	sdelay $0x1  }
0x7c: {  	s11 =	simm.s32 @p0 $0x8600;
	[tilespmem:s10+$0x0] =	vst v4;
	s10 =	simm.s32 @p0 $0x0  }
0x7d: {  	[hbm4b:s8+s10] =	stream.linear.scatter @p0 [tilespmem:s11], [sflag:$0x1], $0x1078, $0x38;
	[tilespmem:$0x9700] =	vst v63  }
0x7e: {  	s10 =	simm.s32 @p0 $0x1  }
0x7f: {  	s2 =	sadd.s32 $0x1, s2;
	_ =	swait.ge @p0 [sflag:s10], $0x1078  }
0x80: {  	p1 =	sne.s32 s2, s9;
	[sflag:s10] =	ssyncset.done @p0 $0x0  }
0x81: {  	s11 =	simm.s32 @!p0 $0x8600;
	[sflag:s10] =	ssyncadd.s32 @p0 $0xFFFFEF88;
	s10 =	simm.s32 @!p0 $0x0  }
0x82: {  	[hbm4b:s7+s10] =	stream.linear.scatter @!p0 [tilespmem:s11], [sflag:$0x1], $0x10A8, $0x38;
	[tilespmem:$0x9700] =	vst v63  }
.Ltmp1:
0x83: {  	_ = 	snop;
	(pc) =	sbr.rel @p1 .LBB2_1-.Ltmp1, $4  }
0x84: {  	s10 =	simm.s32 @!p0 $0x1  }
0x85: {  	_ =	swait.ge @!p0 [sflag:s10], $0x10A8  }
0x86: {  	[sflag:s10] =	ssyncset.done @!p0 $0x0  }
0x87: {  	[sflag:s10] =	ssyncadd.s32 @!p0 $0xFFFFEF58  }
0x88: {  	_ =	sfence.sel $0x180000  }
0x89: {  	[bflag:$0x0] =	sbarrier.arrive $0xFFFF  }
0x8a: {  	p0 =	sne.s32 s0, $0x0;
	_ =	strace $0x90000047  }
0x8b: {  	s0 =	sadd.s32 @!p0 $0x100000, s1;
	[bflag:$0x2] =	sbarrier.arrive $0xFFFF  }
0x8c: {  	[sflag:s0] =	ssyncadd.tile.s32 @!p0 $0x1;
	_ =	shalt  }
.Lfunc_end2:
_tile_overlayer_lowered:
.L_overlay_start_2:
0x8d: {  	(tag) =	ssettag $0x2  }
0x8e: {  	s0 =	rddreg [dreg:$0x0];
	s2 =	stileid.u32  }
0x8f: {  	s1 =	rddreg [dreg:$0x1];
	p0 =	sne.s32 s2, $0x0  }
0x90: {  	s3 =	rddreg [dreg:$0x2];
	[bflag:$0x3] =	sbarrier.arrive $0xFFFF;
	s2 =	simm.s32 @!p0 $0x1C01  }
0x91: {  	[timem:s3], [sflag:s2] =	dma.local @!p0 [hbm:s0], s1  }
0x92: {  	s0 =	simm.s32 @!p0 $0x1  }
0x93: {  	_ =	swait.ge @!p0 [sflag:s0], s1  }
0x94: {  	s1 =	ssub.s32 @!p0 $0x0, s1;
	[sflag:s0] =	ssyncset.done @!p0 $0x0  }
0x95: {  	[sflag:s0] =	ssyncadd.s32 @!p0 s1  }
0x96: {  	[bflag:$0x3] =	sbarrier.arrive $0xFFFF  }
0x97: {  	_ =	shalt  }

</sc_bundles>
